<compile_context>
chip_gen: v7x
topology: tpu7x:2x2x1
jax: 0.10.2.dev20260603
libtpu: 0.0.44.dev20260713+nightly
codegen_flags: <defaults>
</compile_context>

<pallas_src>
import functools

import jax
import jax.numpy as jnp
from jax import lax
from jax.experimental import pallas as pl
from jax.experimental.pallas import tpu as pltpu
from jax.experimental.pallas import tpu_sc as plsc

D = 64
SCALE = 8.0
NC = 2
NS = 16
NW = NC * NS
VOCAB = 1000000
NI = 4096
NJ = 200
B_TOTAL = NI * NJ
GATHER = 128
NTILE = B_TOTAL // GATHER
TPW = NTILE // NW

_TBLK = 8192


def _transpose_body(t_ref, out_ref):
    xv = t_ref[...]
    r = lax.broadcasted_iota(jnp.int32, (D, 2 * D), 0)
    c = lax.broadcasted_iota(jnp.int32, (D, 2 * D), 1)
    e8 = jnp.where(r == c % D, SCALE, 0.0).astype(jnp.float32)
    out_ref[...] = lax.dot_general(
        xv, e8, (((0,), (0,)), ((), ())),
        precision=lax.Precision.DEFAULT,
        preferred_element_type=jnp.float32)


_tc_transpose = pl.pallas_call(
    _transpose_body,
    grid=((VOCAB + _TBLK - 1) // _TBLK,),
    in_specs=[pl.BlockSpec((D, _TBLK), lambda i: (0, i))],
    out_specs=pl.BlockSpec((_TBLK, 2 * D), lambda i: (i, 0)),
    out_shape=jax.ShapeDtypeStruct((VOCAB, 2 * D), jnp.float32),
)

_mesh = plsc.VectorSubcoreMesh(core_axis_name="c", subcore_axis_name="s")


@functools.partial(
    pl.kernel,
    mesh=_mesh,
    out_type=jax.ShapeDtypeStruct((B_TOTAL // 2, 2 * D), jnp.float32),
    scratch_types=[
        pltpu.VMEM((TPW, GATHER), jnp.int32),
        pltpu.VMEM((2, GATHER, 2 * D), jnp.float32),
        pltpu.VMEM((D, GATHER + 4), jnp.float32),
        pltpu.VMEM((D, GATHER + 4), jnp.float32),
        pltpu.SemaphoreType.DMA,
        pltpu.SemaphoreType.DMA,
        pltpu.SemaphoreType.DMA,
        pltpu.SemaphoreType.DMA,
    ],
    compiler_params=pltpu.CompilerParams(needs_layout_passes=False,
                                         disable_bounds_checks=True),
)
def _sc_gather(xt_hbm, tab_hbm, out_hbm, idx_v, rows_v, tv0, tv1,
               g0, g1, o0, o1):
    wid = lax.axis_index("s") * NC + lax.axis_index("c")
    tbase = wid * TPW
    gsems = (g0, g1)
    osems = (o0, o1)
    tvs = (tv0, tv1)

    pltpu.sync_copy(xt_hbm.at[pl.ds(tbase, TPW)], idx_v)

    iota = lax.iota(jnp.int32, 16)
    lanes = [iota + 16 * lb for lb in range(GATHER // 16)]

    def fire(t, b):
        pltpu.async_copy(tab_hbm.at[idx_v.at[t]], rows_v.at[b], gsems[b])

    def process(t, b):
        pltpu.make_async_copy(tab_hbm.at[pl.ds(0, GATHER)],
                              rows_v.at[b], gsems[b]).wait()

        @pl.when(t >= 2)
        def _():
            pltpu.make_async_copy(tab_hbm.at[pl.ds(0, D)],
                                  rows_v.at[b, pl.ds(0, D)], osems[b]).wait()

        @plsc.parallel_loop(0, GATHER, unroll=8)
        def _(w):
            wv = jnp.full((16,), w, jnp.int32)
            for kb in range(D // 16):
                v = rows_v[b, w, pl.ds(16 * kb, 16)]
                plsc.store_scatter(tvs[b], [lanes[kb], wv], v)

        tg = tbase + t
        j = tg // 32
        tc = tg % 32
        for tr in range(8):
            pltpu.async_copy(
                tvs[b].at[pl.ds(8 * tr, 8), pl.ds(0, GATHER)],
                out_hbm.at[pl.ds(j * 2048 + tr * 256 + tc * 8, 8)],
                osems[b])

    fire(0, 0)

    def outer(u, carry):
        t0 = 2 * u
        fire(t0 + 1, 1)
        process(t0, 0)

        @pl.when(u + 1 < TPW // 2)
        def _():
            fire(t0 + 2, 0)

        process(t0 + 1, 1)
        return carry

    lax.fori_loop(0, TPW // 2, outer, 0)

    for b in range(2):
        pltpu.make_async_copy(tab_hbm.at[pl.ds(0, D)],
                              rows_v.at[b, pl.ds(0, D)], osems[b]).wait()


def kernel(x, table):
    xt = x.astype(jnp.int32).T.reshape(NTILE, GATHER)
    tab = _tc_transpose(table.T)
    out2d = _sc_gather(xt, tab)
    out5 = out2d.reshape(NJ, 8, NI // GATHER, 8, GATHER)
    return out5.transpose(2, 4, 0, 1, 3).reshape(NI, NJ, D)

# --- scband reference (transcript-rebuilt; emitter-appended) ---
"""Pipeline reference for scband-input-embeddings-12773232738380 (READ-ONLY COPY).

The authoritative reference and input builder live on the scoring server;
editing this copy changes nothing except your own understanding.
"""

import jax, jax.numpy as jnp
import numpy as np

D_MODEL = 64
VOCAB_SIZE = 1000000

def setup_inputs(seed: int = 0) -> dict:
    key = jax.random.key(seed)
    k1, k2 = jax.random.split(key)
    x = jax.random.randint(k1, (4096, 200), 0, VOCAB_SIZE, dtype=jnp.int64 if jax.config.jax_enable_x64 else jnp.int32)
    table = jax.random.normal(k2, (VOCAB_SIZE, D_MODEL), dtype=jnp.float32)
    return {"x": x, "table": table}

def reference(x, table):
    # InputEmbeddings.forward: self.embeds(x) * self.d_model ** 0.5
    emb = jnp.take(table, x, axis=0)
    return emb * (D_MODEL ** 0.5)

if __name__ == "__main__":
    import jax
    _d = setup_inputs()
    print(jax.jit(kernel)(*tuple(_d.values())))

</pallas_src>

<mosaic_0001>
#map = affine_map<(d0, d1) -> (0, 0)>
module attributes {stable_mosaic.version = 14 : i64} {
  func.func @_sc_gather(%arg0: i32, %arg1: i32, %arg2: memref<6400x128xi32, #tpu.memory_space<hbm>>, %arg3: memref<1000000x128xf32, #tpu.memory_space<hbm>>, %arg4: memref<409600x128xf32, #tpu.memory_space<hbm>>, %arg5: memref<200x128xi32, #tpu.memory_space<vmem>>, %arg6: memref<2x128x128xf32, #tpu.memory_space<vmem>>, %arg7: memref<64x132xf32, #tpu.memory_space<vmem>>, %arg8: memref<64x132xf32, #tpu.memory_space<vmem>>, %arg9: memref<!tpu.dma_semaphore, #tpu.memory_space<semaphore_mem>>, %arg10: memref<!tpu.dma_semaphore, #tpu.memory_space<semaphore_mem>>, %arg11: memref<!tpu.dma_semaphore, #tpu.memory_space<semaphore_mem>>, %arg12: memref<!tpu.dma_semaphore, #tpu.memory_space<semaphore_mem>>) attributes {dimension_semantics = [#tpu.dimension_semantics<core_parallel>, #tpu.dimension_semantics<subcore_parallel>], iteration_bounds = array<i64: 2, 16>, scalar_prefetch = 0 : i64, scratch_operands = 8 : i64, tpu.core_type = #tpu.core_type<sc_vector_subcore>, window_params = [{transform_indices = #map}, {transform_indices = #map}, {transform_indices = #map}]} {
    %mul3A = arith.constant 2 : i32
    %mul3A_0 = arith.muli %arg1, %mul3A : i32
    %add3A = arith.addi %mul3A_0, %arg0 : i32
    %mul3A_1 = arith.constant 200 : i32
    %mul3A_2 = arith.muli %add3A, %mul3A_1 : i32
    "tpu.region"() ({
      %run_scoped3A = tpu.sem_alloc : memref<!tpu.dma_semaphore, #tpu.memory_space<semaphore_mem>>
      %dma_start3A_72 = arith.constant 0 : i32
      %dma_start3A_73 = tpu.memref_slice %arg2[%mul3A_2, %dma_start3A_72] : memref<6400x128xi32, #tpu.memory_space<hbm>> -> memref<200x128xi32, #tpu.memory_space<hbm>>
      %dma_start3A_74 = arith.constant 0 : i32
      %dma_start3A_75 = tpu.memref_slice %arg2[%mul3A_2, %dma_start3A_74] : memref<6400x128xi32, #tpu.memory_space<hbm>> -> memref<200x128xi32, #tpu.memory_space<hbm>>
      tpu.enqueue_dma source(%dma_start3A_75 : memref<200x128xi32, #tpu.memory_space<hbm>>) target(%arg5 : memref<200x128xi32, #tpu.memory_space<vmem>>) target_semaphore(%run_scoped3A : memref<!tpu.dma_semaphore, #tpu.memory_space<semaphore_mem>>)
      %dma_wait3A_76 = arith.constant 0 : i32
      %dma_wait3A_77 = tpu.memref_slice %arg2[%mul3A_2, %dma_wait3A_76] : memref<6400x128xi32, #tpu.memory_space<hbm>> -> memref<200x128xi32, #tpu.memory_space<hbm>>
      %dma_wait3A_78 = arith.constant 0 : i32
      %dma_wait3A_79 = tpu.memref_slice %arg2[%mul3A_2, %dma_wait3A_78] : memref<6400x128xi32, #tpu.memory_space<hbm>> -> memref<200x128xi32, #tpu.memory_space<hbm>>
      tpu.wait_dma2 semaphore(%run_scoped3A : memref<!tpu.dma_semaphore, #tpu.memory_space<semaphore_mem>>) src(%dma_wait3A_79 : memref<200x128xi32, #tpu.memory_space<hbm>>) dst(%arg5 : memref<200x128xi32, #tpu.memory_space<vmem>>)
      tpu.yield
    }) : () -> ()
    %iota3A = tpu.iota {dimensions = array<i32: 0>} : vector<16xi32>
    %add3A_3 = arith.constant 0 : i32
    %add3A_4 = vector.broadcast %add3A_3 : i32 to vector<16xi32>
    %add3A_5 = arith.addi %iota3A, %add3A_4 : vector<16xi32>
    %add3A_6 = arith.constant 16 : i32
    %add3A_7 = vector.broadcast %add3A_6 : i32 to vector<16xi32>
    %add3A_8 = arith.addi %iota3A, %add3A_7 : vector<16xi32>
    %add3A_9 = arith.constant 32 : i32
    %add3A_10 = vector.broadcast %add3A_9 : i32 to vector<16xi32>
    %add3A_11 = arith.addi %iota3A, %add3A_10 : vector<16xi32>
    %add3A_12 = arith.constant 48 : i32
    %add3A_13 = vector.broadcast %add3A_12 : i32 to vector<16xi32>
    %add3A_14 = arith.addi %iota3A, %add3A_13 : vector<16xi32>
    %add3A_15 = arith.constant 64 : i32
    %add3A_16 = vector.broadcast %add3A_15 : i32 to vector<16xi32>
    %add3A_17 = arith.addi %iota3A, %add3A_16 : vector<16xi32>
    %add3A_18 = arith.constant 80 : i32
    %add3A_19 = vector.broadcast %add3A_18 : i32 to vector<16xi32>
    %add3A_20 = arith.addi %iota3A, %add3A_19 : vector<16xi32>
    %add3A_21 = arith.constant 96 : i32
    %add3A_22 = vector.broadcast %add3A_21 : i32 to vector<16xi32>
    %add3A_23 = arith.addi %iota3A, %add3A_22 : vector<16xi32>
    %add3A_24 = arith.constant 112 : i32
    %add3A_25 = vector.broadcast %add3A_24 : i32 to vector<16xi32>
    %add3A_26 = arith.addi %iota3A, %add3A_25 : vector<16xi32>
    %dma_start3A = arith.constant 0 : i32
    %dma_start3A_27 = arith.constant 0 : i32
    %dma_start3A_28 = arith.constant 0 : i32
    %dma_start3A_29 = arith.constant 0 : i32
    %dma_start3A_30 = tpu.memref_slice %arg6[%dma_start3A_27, %dma_start3A_28, %dma_start3A_29] : memref<2x128x128xf32, #tpu.memory_space<vmem>> -> memref<1x128x128xf32, #tpu.memory_space<vmem>>
    %dma_start3A_31 = tpu.memref_squeeze %dma_start3A_30 : memref<1x128x128xf32, #tpu.memory_space<vmem>> -> memref<128x128xf32, #tpu.memory_space<vmem>>
    %dma_start3A_32 = arith.constant 0 : i32
    %dma_start3A_33 = tpu.memref_slice %arg5[%dma_start3A, %dma_start3A_32] : memref<200x128xi32, #tpu.memory_space<vmem>> -> memref<1x128xi32, #tpu.memory_space<vmem>>
    %dma_start3A_34 = tpu.memref_squeeze %dma_start3A_33 : memref<1x128xi32, #tpu.memory_space<vmem>> -> memref<128xi32, #tpu.memory_space<vmem>>
    %dma_start3A_35 = arith.constant 0 : i32
    %dma_start3A_36 = arith.constant 0 : i32
    %dma_start3A_37 = tpu.memref_slice %arg3[%dma_start3A_35, %dma_start3A_36] : memref<1000000x128xf32, #tpu.memory_space<hbm>> -> memref<1000000x128xf32, #tpu.memory_space<hbm>>
    tpu.enqueue_indirect_dma source(%dma_start3A_37 : memref<1000000x128xf32, #tpu.memory_space<hbm>>) target(%dma_start3A_31 : memref<128x128xf32, #tpu.memory_space<vmem>>) offsets(%dma_start3A_34 : memref<128xi32, #tpu.memory_space<vmem>>) semaphore(%arg9 : memref<!tpu.dma_semaphore, #tpu.memory_space<semaphore_mem>>)
    %scan3A = arith.constant 0 : i32
    %scan3A_38 = arith.constant 0 : i32
    %scan3A_39 = arith.constant 100 : i32
    %scan3A_40 = arith.addi %scan3A_38, %scan3A_39 : i32
    %scan3A_41 = arith.constant 1 : i32
    scf.for %scan3A_72 = %scan3A_38 to %scan3A_40 step %scan3A_41  : i32 {
      %mul3A_73 = arith.constant 2 : i32
      %mul3A_74 = arith.muli %mul3A_73, %scan3A_72 : i32
      %add3A_75 = arith.constant 1 : i32
      %add3A_76 = arith.addi %mul3A_74, %add3A_75 : i32
      %dma_start3A_77 = arith.constant 1 : i32
      %dma_start3A_78 = arith.constant 0 : i32
      %dma_start3A_79 = arith.constant 0 : i32
      %dma_start3A_80 = tpu.memref_slice %arg6[%dma_start3A_77, %dma_start3A_78, %dma_start3A_79] : memref<2x128x128xf32, #tpu.memory_space<vmem>> -> memref<1x128x128xf32, #tpu.memory_space<vmem>>
      %dma_start3A_81 = tpu.memref_squeeze %dma_start3A_80 : memref<1x128x128xf32, #tpu.memory_space<vmem>> -> memref<128x128xf32, #tpu.memory_space<vmem>>
      %dma_start3A_82 = arith.constant 0 : i32
      %dma_start3A_83 = tpu.memref_slice %arg5[%add3A_76, %dma_start3A_82] : memref<200x128xi32, #tpu.memory_space<vmem>> -> memref<1x128xi32, #tpu.memory_space<vmem>>
      %dma_start3A_84 = tpu.memref_squeeze %dma_start3A_83 : memref<1x128xi32, #tpu.memory_space<vmem>> -> memref<128xi32, #tpu.memory_space<vmem>>
      %dma_start3A_85 = arith.constant 0 : i32
      %dma_start3A_86 = arith.constant 0 : i32
      %dma_start3A_87 = tpu.memref_slice %arg3[%dma_start3A_85, %dma_start3A_86] : memref<1000000x128xf32, #tpu.memory_space<hbm>> -> memref<1000000x128xf32, #tpu.memory_space<hbm>>
      tpu.enqueue_indirect_dma source(%dma_start3A_87 : memref<1000000x128xf32, #tpu.memory_space<hbm>>) target(%dma_start3A_81 : memref<128x128xf32, #tpu.memory_space<vmem>>) offsets(%dma_start3A_84 : memref<128xi32, #tpu.memory_space<vmem>>) semaphore(%arg10 : memref<!tpu.dma_semaphore, #tpu.memory_space<semaphore_mem>>)
      %dma_wait3A_88 = arith.constant 0 : i32
      %dma_wait3A_89 = arith.constant 0 : i32
      %dma_wait3A_90 = arith.constant 0 : i32
      %dma_wait3A_91 = tpu.memref_slice %arg6[%dma_wait3A_88, %dma_wait3A_89, %dma_wait3A_90] : memref<2x128x128xf32, #tpu.memory_space<vmem>> -> memref<1x128x128xf32, #tpu.memory_space<vmem>>
      %dma_wait3A_92 = tpu.memref_squeeze %dma_wait3A_91 : memref<1x128x128xf32, #tpu.memory_space<vmem>> -> memref<128x128xf32, #tpu.memory_space<vmem>>
      %dma_wait3A_93 = arith.constant 0 : i32
      %dma_wait3A_94 = arith.constant 0 : i32
      %dma_wait3A_95 = tpu.memref_slice %arg3[%dma_wait3A_93, %dma_wait3A_94] : memref<1000000x128xf32, #tpu.memory_space<hbm>> -> memref<128x128xf32, #tpu.memory_space<hbm>>
      %dma_wait3A_96 = arith.constant 0 : i32
      %dma_wait3A_97 = arith.constant 0 : i32
      %dma_wait3A_98 = tpu.memref_slice %arg6[%dma_wait3A_88, %dma_wait3A_96, %dma_wait3A_97] : memref<2x128x128xf32, #tpu.memory_space<vmem>> -> memref<1x128x128xf32, #tpu.memory_space<vmem>>
      %dma_wait3A_99 = tpu.memref_squeeze %dma_wait3A_98 : memref<1x128x128xf32, #tpu.memory_space<vmem>> -> memref<128x128xf32, #tpu.memory_space<vmem>>
      %dma_wait3A_100 = arith.constant 0 : i32
      %dma_wait3A_101 = arith.constant 0 : i32
      %dma_wait3A_102 = tpu.memref_slice %arg3[%dma_wait3A_100, %dma_wait3A_101] : memref<1000000x128xf32, #tpu.memory_space<hbm>> -> memref<128x128xf32, #tpu.memory_space<hbm>>
      tpu.wait_dma2 semaphore(%arg9 : memref<!tpu.dma_semaphore, #tpu.memory_space<semaphore_mem>>) src(%dma_wait3A_102 : memref<128x128xf32, #tpu.memory_space<hbm>>) dst(%dma_wait3A_99 : memref<128x128xf32, #tpu.memory_space<vmem>>)
      %ge3A = arith.constant 2 : i32
      %ge3A_103 = arith.cmpi sge, %mul3A_74, %ge3A : i32
      %convert_element_type3A = arith.extui %ge3A_103 : i1 to i32
      %cond3A = arith.constant 0 : i32
      %cond3A_104 = arith.cmpi ne, %convert_element_type3A, %cond3A : i32
      scf.if %cond3A_104 {
        %dma_wait3A_483 = arith.constant 0 : i32
        %dma_wait3A_484 = arith.constant 0 : i32
        %dma_wait3A_485 = arith.constant 0 : i32
        %dma_wait3A_486 = tpu.memref_slice %arg6[%dma_wait3A_483, %dma_wait3A_484, %dma_wait3A_485] : memref<2x128x128xf32, #tpu.memory_space<vmem>> -> memref<1x64x128xf32, #tpu.memory_space<vmem>>
        %dma_wait3A_487 = tpu.memref_squeeze %dma_wait3A_486 : memref<1x64x128xf32, #tpu.memory_space<vmem>> -> memref<64x128xf32, #tpu.memory_space<vmem>>
        %dma_wait3A_488 = arith.constant 0 : i32
        %dma_wait3A_489 = arith.constant 0 : i32
        %dma_wait3A_490 = tpu.memref_slice %arg3[%dma_wait3A_488, %dma_wait3A_489] : memref<1000000x128xf32, #tpu.memory_space<hbm>> -> memref<64x128xf32, #tpu.memory_space<hbm>>
        %dma_wait3A_491 = arith.constant 0 : i32
        %dma_wait3A_492 = arith.constant 0 : i32
        %dma_wait3A_493 = tpu.memref_slice %arg6[%dma_wait3A_483, %dma_wait3A_491, %dma_wait3A_492] : memref<2x128x128xf32, #tpu.memory_space<vmem>> -> memref<1x64x128xf32, #tpu.memory_space<vmem>>
        %dma_wait3A_494 = tpu.memref_squeeze %dma_wait3A_493 : memref<1x64x128xf32, #tpu.memory_space<vmem>> -> memref<64x128xf32, #tpu.memory_space<vmem>>
        %dma_wait3A_495 = arith.constant 0 : i32
        %dma_wait3A_496 = arith.constant 0 : i32
        %dma_wait3A_497 = tpu.memref_slice %arg3[%dma_wait3A_495, %dma_wait3A_496] : memref<1000000x128xf32, #tpu.memory_space<hbm>> -> memref<64x128xf32, #tpu.memory_space<hbm>>
        tpu.wait_dma2 semaphore(%arg11 : memref<!tpu.dma_semaphore, #tpu.memory_space<semaphore_mem>>) src(%dma_wait3A_497 : memref<64x128xf32, #tpu.memory_space<hbm>>) dst(%dma_wait3A_494 : memref<64x128xf32, #tpu.memory_space<vmem>>)
      } else {
      }
      %parallel_loop3A = arith.constant 0 : i32
      %parallel_loop3A_105 = arith.constant 128 : i32
      %parallel_loop3A_106 = arith.constant 1 : i32
      scf.for %parallel_loop3A_483 = %parallel_loop3A to %parallel_loop3A_105 step %parallel_loop3A_106  : i32 {
        %parallel_loop3A_484 = vector.broadcast %parallel_loop3A_483 : i32 to vector<16xi32>
        %parallel_loop3A_485 = arith.constant 0 : i32
        %parallel_loop3A_486 = arith.index_cast %parallel_loop3A_485 : i32 to index
        %parallel_loop3A_487 = arith.index_cast %parallel_loop3A_483 : i32 to index
        %parallel_loop3A_488 = arith.constant 0 : index
        %parallel_loop3A_489 = tpu.vector_load %arg6[%parallel_loop3A_486, %parallel_loop3A_487, %parallel_loop3A_488] {strides = array<i32>} : memref<2x128x128xf32, #tpu.memory_space<vmem>>, vector<16xf32>,
        tpu.vector_store_idx %arg7[%add3A_5, %parallel_loop3A_484], %parallel_loop3A_489 : memref<64x132xf32, #tpu.memory_space<vmem>>[vector<16xi32>, vector<16xi32>], vector<16xf32>,
        %parallel_loop3A_490 = arith.constant 0 : i32
        %parallel_loop3A_491 = arith.index_cast %parallel_loop3A_490 : i32 to index
        %parallel_loop3A_492 = arith.index_cast %parallel_loop3A_483 : i32 to index
        %parallel_loop3A_493 = arith.constant 16 : index
        %parallel_loop3A_494 = tpu.vector_load %arg6[%parallel_loop3A_491, %parallel_loop3A_492, %parallel_loop3A_493] {strides = array<i32>} : memref<2x128x128xf32, #tpu.memory_space<vmem>>, vector<16xf32>,
        tpu.vector_store_idx %arg7[%add3A_8, %parallel_loop3A_484], %parallel_loop3A_494 : memref<64x132xf32, #tpu.memory_space<vmem>>[vector<16xi32>, vector<16xi32>], vector<16xf32>,
        %parallel_loop3A_495 = arith.constant 0 : i32
        %parallel_loop3A_496 = arith.index_cast %parallel_loop3A_495 : i32 to index
        %parallel_loop3A_497 = arith.index_cast %parallel_loop3A_483 : i32 to index
        %parallel_loop3A_498 = arith.constant 32 : index
        %parallel_loop3A_499 = tpu.vector_load %arg6[%parallel_loop3A_496, %parallel_loop3A_497, %parallel_loop3A_498] {strides = array<i32>} : memref<2x128x128xf32, #tpu.memory_space<vmem>>, vector<16xf32>,
        tpu.vector_store_idx %arg7[%add3A_11, %parallel_loop3A_484], %parallel_loop3A_499 : memref<64x132xf32, #tpu.memory_space<vmem>>[vector<16xi32>, vector<16xi32>], vector<16xf32>,
        %parallel_loop3A_500 = arith.constant 0 : i32
        %parallel_loop3A_501 = arith.index_cast %parallel_loop3A_500 : i32 to index
        %parallel_loop3A_502 = arith.index_cast %parallel_loop3A_483 : i32 to index
        %parallel_loop3A_503 = arith.constant 48 : index
        %parallel_loop3A_504 = tpu.vector_load %arg6[%parallel_loop3A_501, %parallel_loop3A_502, %parallel_loop3A_503] {strides = array<i32>} : memref<2x128x128xf32, #tpu.memory_space<vmem>>, vector<16xf32>,
        tpu.vector_store_idx %arg7[%add3A_14, %parallel_loop3A_484], %parallel_loop3A_504 : memref<64x132xf32, #tpu.memory_space<vmem>>[vector<16xi32>, vector<16xi32>], vector<16xf32>,
      } {sc.loop_unroll_factor = 8 : i64, sc.parallel_access}
      %add3A_107 = arith.addi %mul3A_2, %mul3A_74 : i32
      %jit3A = arith.constant 32 : i32
      %div3A = arith.divsi %add3A_107, %jit3A : i32
      %sign3A = arith.constant 0 : i32
      %sign3A_108 = arith.cmpi sgt, %add3A_107, %sign3A : i32
      %sign3A_109 = arith.extui %sign3A_108 : i1 to i32
      %sign3A_110 = arith.constant 0 : i32
      %sign3A_111 = arith.cmpi slt, %add3A_107, %sign3A_110 : i32
      %sign3A_112 = arith.extui %sign3A_111 : i1 to i32
      %sign3A_113 = arith.subi %sign3A_109, %sign3A_112 : i32
      %sign3A_114 = arith.constant 0 : i32
      %sign3A_115 = arith.cmpi sgt, %jit3A, %sign3A_114 : i32
      %sign3A_116 = arith.extui %sign3A_115 : i1 to i32
      %sign3A_117 = arith.constant 0 : i32
      %sign3A_118 = arith.cmpi slt, %jit3A, %sign3A_117 : i32
      %sign3A_119 = arith.extui %sign3A_118 : i1 to i32
      %sign3A_120 = arith.subi %sign3A_116, %sign3A_119 : i32
      %ne3A = arith.cmpi ne, %sign3A_113, %sign3A_120 : i32
      %rem3A = arith.remsi %add3A_107, %jit3A : i32
      %ne3A_121 = arith.constant 0 : i32
      %ne3A_122 = arith.cmpi ne, %rem3A, %ne3A_121 : i32
      %and3A = arith.andi %ne3A, %ne3A_122 : i1
      %sub3A = arith.constant 1 : i32
      %sub3A_123 = arith.subi %div3A, %sub3A : i32
      %select_n3A = arith.select %and3A, %sub3A_123, %div3A : i32
      %jit3A_124 = arith.constant 32 : i32
      %eq3A = arith.constant 0 : i32
      %eq3A_125 = arith.cmpi eq, %jit3A_124, %eq3A : i32
      %jit3A_126 = arith.constant 1 : i32
      %select_n3A_127 = arith.select %eq3A_125, %jit3A_126, %jit3A_124 : i32
      %rem3A_128 = arith.remsi %add3A_107, %select_n3A_127 : i32
      %ne3A_129 = arith.constant 0 : i32
      %ne3A_130 = arith.cmpi ne, %rem3A_128, %ne3A_129 : i32
      %lt3A = arith.constant 0 : i32
      %lt3A_131 = arith.cmpi slt, %rem3A_128, %lt3A : i32
      %lt3A_132 = arith.constant 0 : i32
      %lt3A_133 = arith.cmpi slt, %select_n3A_127, %lt3A_132 : i32
      %ne3A_134 = arith.xori %lt3A_131, %lt3A_133 : i1
      %and3A_135 = arith.andi %ne3A_134, %ne3A_130 : i1
      %add3A_136 = arith.addi %rem3A_128, %select_n3A_127 : i32
      %select_n3A_137 = arith.select %and3A_135, %add3A_136, %rem3A_128 : i32
      %mul3A_138 = arith.constant 2048 : i32
      %mul3A_139 = arith.muli %select_n3A, %mul3A_138 : i32
      %add3A_140 = arith.constant 0 : i32
      %add3A_141 = arith.addi %mul3A_139, %add3A_140 : i32
      %mul3A_142 = arith.constant 8 : i32
      %mul3A_143 = arith.muli %select_n3A_137, %mul3A_142 : i32
      %add3A_144 = arith.addi %add3A_141, %mul3A_143 : i32
      %dma_start3A_145 = arith.constant 0 : i32
      %dma_start3A_146 = arith.constant 0 : i32
      %dma_start3A_147 = tpu.memref_slice %arg7[%dma_start3A_145, %dma_start3A_146] : memref<64x132xf32, #tpu.memory_space<vmem>> -> memref<8x128xf32, #tpu.memory_space<vmem>>
      %dma_start3A_148 = arith.constant 0 : i32
      %dma_start3A_149 = tpu.memref_slice %arg4[%add3A_144, %dma_start3A_148] : memref<409600x128xf32, #tpu.memory_space<hbm>> -> memref<8x128xf32, #tpu.memory_space<hbm>>
      %dma_start3A_150 = arith.constant 0 : i32
      %dma_start3A_151 = tpu.memref_slice %arg4[%add3A_144, %dma_start3A_150] : memref<409600x128xf32, #tpu.memory_space<hbm>> -> memref<8x128xf32, #tpu.memory_space<hbm>>
      %dma_start3A_152 = arith.constant 0 : i32
      %dma_start3A_153 = arith.constant 0 : i32
      %dma_start3A_154 = tpu.memref_slice %arg7[%dma_start3A_152, %dma_start3A_153] : memref<64x132xf32, #tpu.memory_space<vmem>> -> memref<8x128xf32, #tpu.memory_space<vmem>>
      tpu.enqueue_dma source(%dma_start3A_154 : memref<8x128xf32, #tpu.memory_space<vmem>>) target(%dma_start3A_151 : memref<8x128xf32, #tpu.memory_space<hbm>>) target_semaphore(%arg11 : memref<!tpu.dma_semaphore, #tpu.memory_space<semaphore_mem>>)
      %mul3A_155 = arith.constant 2048 : i32
      %mul3A_156 = arith.muli %select_n3A, %mul3A_155 : i32
      %add3A_157 = arith.constant 256 : i32
      %add3A_158 = arith.addi %mul3A_156, %add3A_157 : i32
      %mul3A_159 = arith.constant 8 : i32
      %mul3A_160 = arith.muli %select_n3A_137, %mul3A_159 : i32
      %add3A_161 = arith.addi %add3A_158, %mul3A_160 : i32
      %dma_start3A_162 = arith.constant 8 : i32
      %dma_start3A_163 = arith.constant 0 : i32
      %dma_start3A_164 = tpu.memref_slice %arg7[%dma_start3A_162, %dma_start3A_163] : memref<64x132xf32, #tpu.memory_space<vmem>> -> memref<8x128xf32, #tpu.memory_space<vmem>>
      %dma_start3A_165 = arith.constant 0 : i32
      %dma_start3A_166 = tpu.memref_slice %arg4[%add3A_161, %dma_start3A_165] : memref<409600x128xf32, #tpu.memory_space<hbm>> -> memref<8x128xf32, #tpu.memory_space<hbm>>
      %dma_start3A_167 = arith.constant 0 : i32
      %dma_start3A_168 = tpu.memref_slice %arg4[%add3A_161, %dma_start3A_167] : memref<409600x128xf32, #tpu.memory_space<hbm>> -> memref<8x128xf32, #tpu.memory_space<hbm>>
      %dma_start3A_169 = arith.constant 8 : i32
      %dma_start3A_170 = arith.constant 0 : i32
      %dma_start3A_171 = tpu.memref_slice %arg7[%dma_start3A_169, %dma_start3A_170] : memref<64x132xf32, #tpu.memory_space<vmem>> -> memref<8x128xf32, #tpu.memory_space<vmem>>
      tpu.enqueue_dma source(%dma_start3A_171 : memref<8x128xf32, #tpu.memory_space<vmem>>) target(%dma_start3A_168 : memref<8x128xf32, #tpu.memory_space<hbm>>) target_semaphore(%arg11 : memref<!tpu.dma_semaphore, #tpu.memory_space<semaphore_mem>>)
      %mul3A_172 = arith.constant 2048 : i32
      %mul3A_173 = arith.muli %select_n3A, %mul3A_172 : i32
      %add3A_174 = arith.constant 512 : i32
      %add3A_175 = arith.addi %mul3A_173, %add3A_174 : i32
      %mul3A_176 = arith.constant 8 : i32
      %mul3A_177 = arith.muli %select_n3A_137, %mul3A_176 : i32
      %add3A_178 = arith.addi %add3A_175, %mul3A_177 : i32
      %dma_start3A_179 = arith.constant 16 : i32
      %dma_start3A_180 = arith.constant 0 : i32
      %dma_start3A_181 = tpu.memref_slice %arg7[%dma_start3A_179, %dma_start3A_180] : memref<64x132xf32, #tpu.memory_space<vmem>> -> memref<8x128xf32, #tpu.memory_space<vmem>>
      %dma_start3A_182 = arith.constant 0 : i32
      %dma_start3A_183 = tpu.memref_slice %arg4[%add3A_178, %dma_start3A_182] : memref<409600x128xf32, #tpu.memory_space<hbm>> -> memref<8x128xf32, #tpu.memory_space<hbm>>
      %dma_start3A_184 = arith.constant 0 : i32
      %dma_start3A_185 = tpu.memref_slice %arg4[%add3A_178, %dma_start3A_184] : memref<409600x128xf32, #tpu.memory_space<hbm>> -> memref<8x128xf32, #tpu.memory_space<hbm>>
      %dma_start3A_186 = arith.constant 16 : i32
      %dma_start3A_187 = arith.constant 0 : i32
      %dma_start3A_188 = tpu.memref_slice %arg7[%dma_start3A_186, %dma_start3A_187] : memref<64x132xf32, #tpu.memory_space<vmem>> -> memref<8x128xf32, #tpu.memory_space<vmem>>
      tpu.enqueue_dma source(%dma_start3A_188 : memref<8x128xf32, #tpu.memory_space<vmem>>) target(%dma_start3A_185 : memref<8x128xf32, #tpu.memory_space<hbm>>) target_semaphore(%arg11 : memref<!tpu.dma_semaphore, #tpu.memory_space<semaphore_mem>>)
      %mul3A_189 = arith.constant 2048 : i32
      %mul3A_190 = arith.muli %select_n3A, %mul3A_189 : i32
      %add3A_191 = arith.constant 768 : i32
      %add3A_192 = arith.addi %mul3A_190, %add3A_191 : i32
      %mul3A_193 = arith.constant 8 : i32
      %mul3A_194 = arith.muli %select_n3A_137, %mul3A_193 : i32
      %add3A_195 = arith.addi %add3A_192, %mul3A_194 : i32
      %dma_start3A_196 = arith.constant 24 : i32
      %dma_start3A_197 = arith.constant 0 : i32
      %dma_start3A_198 = tpu.memref_slice %arg7[%dma_start3A_196, %dma_start3A_197] : memref<64x132xf32, #tpu.memory_space<vmem>> -> memref<8x128xf32, #tpu.memory_space<vmem>>
      %dma_start3A_199 = arith.constant 0 : i32
      %dma_start3A_200 = tpu.memref_slice %arg4[%add3A_195, %dma_start3A_199] : memref<409600x128xf32, #tpu.memory_space<hbm>> -> memref<8x128xf32, #tpu.memory_space<hbm>>
      %dma_start3A_201 = arith.constant 0 : i32
      %dma_start3A_202 = tpu.memref_slice %arg4[%add3A_195, %dma_start3A_201] : memref<409600x128xf32, #tpu.memory_space<hbm>> -> memref<8x128xf32, #tpu.memory_space<hbm>>
      %dma_start3A_203 = arith.constant 24 : i32
      %dma_start3A_204 = arith.constant 0 : i32
      %dma_start3A_205 = tpu.memref_slice %arg7[%dma_start3A_203, %dma_start3A_204] : memref<64x132xf32, #tpu.memory_space<vmem>> -> memref<8x128xf32, #tpu.memory_space<vmem>>
      tpu.enqueue_dma source(%dma_start3A_205 : memref<8x128xf32, #tpu.memory_space<vmem>>) target(%dma_start3A_202 : memref<8x128xf32, #tpu.memory_space<hbm>>) target_semaphore(%arg11 : memref<!tpu.dma_semaphore, #tpu.memory_space<semaphore_mem>>)
      %mul3A_206 = arith.constant 2048 : i32
      %mul3A_207 = arith.muli %select_n3A, %mul3A_206 : i32
      %add3A_208 = arith.constant 1024 : i32
      %add3A_209 = arith.addi %mul3A_207, %add3A_208 : i32
      %mul3A_210 = arith.constant 8 : i32
      %mul3A_211 = arith.muli %select_n3A_137, %mul3A_210 : i32
      %add3A_212 = arith.addi %add3A_209, %mul3A_211 : i32
      %dma_start3A_213 = arith.constant 32 : i32
      %dma_start3A_214 = arith.constant 0 : i32
      %dma_start3A_215 = tpu.memref_slice %arg7[%dma_start3A_213, %dma_start3A_214] : memref<64x132xf32, #tpu.memory_space<vmem>> -> memref<8x128xf32, #tpu.memory_space<vmem>>
      %dma_start3A_216 = arith.constant 0 : i32
      %dma_start3A_217 = tpu.memref_slice %arg4[%add3A_212, %dma_start3A_216] : memref<409600x128xf32, #tpu.memory_space<hbm>> -> memref<8x128xf32, #tpu.memory_space<hbm>>
      %dma_start3A_218 = arith.constant 0 : i32
      %dma_start3A_219 = tpu.memref_slice %arg4[%add3A_212, %dma_start3A_218] : memref<409600x128xf32, #tpu.memory_space<hbm>> -> memref<8x128xf32, #tpu.memory_space<hbm>>
      %dma_start3A_220 = arith.constant 32 : i32
      %dma_start3A_221 = arith.constant 0 : i32
      %dma_start3A_222 = tpu.memref_slice %arg7[%dma_start3A_220, %dma_start3A_221] : memref<64x132xf32, #tpu.memory_space<vmem>> -> memref<8x128xf32, #tpu.memory_space<vmem>>
      tpu.enqueue_dma source(%dma_start3A_222 : memref<8x128xf32, #tpu.memory_space<vmem>>) target(%dma_start3A_219 : memref<8x128xf32, #tpu.memory_space<hbm>>) target_semaphore(%arg11 : memref<!tpu.dma_semaphore, #tpu.memory_space<semaphore_mem>>)
      %mul3A_223 = arith.constant 2048 : i32
      %mul3A_224 = arith.muli %select_n3A, %mul3A_223 : i32
      %add3A_225 = arith.constant 1280 : i32
      %add3A_226 = arith.addi %mul3A_224, %add3A_225 : i32
      %mul3A_227 = arith.constant 8 : i32
      %mul3A_228 = arith.muli %select_n3A_137, %mul3A_227 : i32
      %add3A_229 = arith.addi %add3A_226, %mul3A_228 : i32
      %dma_start3A_230 = arith.constant 40 : i32
      %dma_start3A_231 = arith.constant 0 : i32
      %dma_start3A_232 = tpu.memref_slice %arg7[%dma_start3A_230, %dma_start3A_231] : memref<64x132xf32, #tpu.memory_space<vmem>> -> memref<8x128xf32, #tpu.memory_space<vmem>>
      %dma_start3A_233 = arith.constant 0 : i32
      %dma_start3A_234 = tpu.memref_slice %arg4[%add3A_229, %dma_start3A_233] : memref<409600x128xf32, #tpu.memory_space<hbm>> -> memref<8x128xf32, #tpu.memory_space<hbm>>
      %dma_start3A_235 = arith.constant 0 : i32
      %dma_start3A_236 = tpu.memref_slice %arg4[%add3A_229, %dma_start3A_235] : memref<409600x128xf32, #tpu.memory_space<hbm>> -> memref<8x128xf32, #tpu.memory_space<hbm>>
      %dma_start3A_237 = arith.constant 40 : i32
      %dma_start3A_238 = arith.constant 0 : i32
      %dma_start3A_239 = tpu.memref_slice %arg7[%dma_start3A_237, %dma_start3A_238] : memref<64x132xf32, #tpu.memory_space<vmem>> -> memref<8x128xf32, #tpu.memory_space<vmem>>
      tpu.enqueue_dma source(%dma_start3A_239 : memref<8x128xf32, #tpu.memory_space<vmem>>) target(%dma_start3A_236 : memref<8x128xf32, #tpu.memory_space<hbm>>) target_semaphore(%arg11 : memref<!tpu.dma_semaphore, #tpu.memory_space<semaphore_mem>>)
      %mul3A_240 = arith.constant 2048 : i32
      %mul3A_241 = arith.muli %select_n3A, %mul3A_240 : i32
      %add3A_242 = arith.constant 1536 : i32
      %add3A_243 = arith.addi %mul3A_241, %add3A_242 : i32
      %mul3A_244 = arith.constant 8 : i32
      %mul3A_245 = arith.muli %select_n3A_137, %mul3A_244 : i32
      %add3A_246 = arith.addi %add3A_243, %mul3A_245 : i32
      %dma_start3A_247 = arith.constant 48 : i32
      %dma_start3A_248 = arith.constant 0 : i32
      %dma_start3A_249 = tpu.memref_slice %arg7[%dma_start3A_247, %dma_start3A_248] : memref<64x132xf32, #tpu.memory_space<vmem>> -> memref<8x128xf32, #tpu.memory_space<vmem>>
      %dma_start3A_250 = arith.constant 0 : i32
      %dma_start3A_251 = tpu.memref_slice %arg4[%add3A_246, %dma_start3A_250] : memref<409600x128xf32, #tpu.memory_space<hbm>> -> memref<8x128xf32, #tpu.memory_space<hbm>>
      %dma_start3A_252 = arith.constant 0 : i32
      %dma_start3A_253 = tpu.memref_slice %arg4[%add3A_246, %dma_start3A_252] : memref<409600x128xf32, #tpu.memory_space<hbm>> -> memref<8x128xf32, #tpu.memory_space<hbm>>
      %dma_start3A_254 = arith.constant 48 : i32
      %dma_start3A_255 = arith.constant 0 : i32
      %dma_start3A_256 = tpu.memref_slice %arg7[%dma_start3A_254, %dma_start3A_255] : memref<64x132xf32, #tpu.memory_space<vmem>> -> memref<8x128xf32, #tpu.memory_space<vmem>>
      tpu.enqueue_dma source(%dma_start3A_256 : memref<8x128xf32, #tpu.memory_space<vmem>>) target(%dma_start3A_253 : memref<8x128xf32, #tpu.memory_space<hbm>>) target_semaphore(%arg11 : memref<!tpu.dma_semaphore, #tpu.memory_space<semaphore_mem>>)
      %mul3A_257 = arith.constant 2048 : i32
      %mul3A_258 = arith.muli %select_n3A, %mul3A_257 : i32
      %add3A_259 = arith.constant 1792 : i32
      %add3A_260 = arith.addi %mul3A_258, %add3A_259 : i32
      %mul3A_261 = arith.constant 8 : i32
      %mul3A_262 = arith.muli %select_n3A_137, %mul3A_261 : i32
      %add3A_263 = arith.addi %add3A_260, %mul3A_262 : i32
      %dma_start3A_264 = arith.constant 56 : i32
      %dma_start3A_265 = arith.constant 0 : i32
      %dma_start3A_266 = tpu.memref_slice %arg7[%dma_start3A_264, %dma_start3A_265] : memref<64x132xf32, #tpu.memory_space<vmem>> -> memref<8x128xf32, #tpu.memory_space<vmem>>
      %dma_start3A_267 = arith.constant 0 : i32
      %dma_start3A_268 = tpu.memref_slice %arg4[%add3A_263, %dma_start3A_267] : memref<409600x128xf32, #tpu.memory_space<hbm>> -> memref<8x128xf32, #tpu.memory_space<hbm>>
      %dma_start3A_269 = arith.constant 0 : i32
      %dma_start3A_270 = tpu.memref_slice %arg4[%add3A_263, %dma_start3A_269] : memref<409600x128xf32, #tpu.memory_space<hbm>> -> memref<8x128xf32, #tpu.memory_space<hbm>>
      %dma_start3A_271 = arith.constant 56 : i32
      %dma_start3A_272 = arith.constant 0 : i32
      %dma_start3A_273 = tpu.memref_slice %arg7[%dma_start3A_271, %dma_start3A_272] : memref<64x132xf32, #tpu.memory_space<vmem>> -> memref<8x128xf32, #tpu.memory_space<vmem>>
      tpu.enqueue_dma source(%dma_start3A_273 : memref<8x128xf32, #tpu.memory_space<vmem>>) target(%dma_start3A_270 : memref<8x128xf32, #tpu.memory_space<hbm>>) target_semaphore(%arg11 : memref<!tpu.dma_semaphore, #tpu.memory_space<semaphore_mem>>)
      %add3A_274 = arith.constant 1 : i32
      %add3A_275 = arith.addi %scan3A_72, %add3A_274 : i32
      %lt3A_276 = arith.constant 100 : i32
      %lt3A_277 = arith.cmpi slt, %add3A_275, %lt3A_276 : i32
      %convert_element_type3A_278 = arith.extui %lt3A_277 : i1 to i32
      %cond3A_279 = arith.constant 0 : i32
      %cond3A_280 = arith.cmpi ne, %convert_element_type3A_278, %cond3A_279 : i32
      scf.if %cond3A_280 {
        %add3A_483 = arith.constant 2 : i32
        %add3A_484 = arith.addi %mul3A_74, %add3A_483 : i32
        %dma_start3A_485 = arith.constant 0 : i32
        %dma_start3A_486 = arith.constant 0 : i32
        %dma_start3A_487 = arith.constant 0 : i32
        %dma_start3A_488 = tpu.memref_slice %arg6[%dma_start3A_485, %dma_start3A_486, %dma_start3A_487] : memref<2x128x128xf32, #tpu.memory_space<vmem>> -> memref<1x128x128xf32, #tpu.memory_space<vmem>>
        %dma_start3A_489 = tpu.memref_squeeze %dma_start3A_488 : memref<1x128x128xf32, #tpu.memory_space<vmem>> -> memref<128x128xf32, #tpu.memory_space<vmem>>
        %dma_start3A_490 = arith.constant 0 : i32
        %dma_start3A_491 = tpu.memref_slice %arg5[%add3A_484, %dma_start3A_490] : memref<200x128xi32, #tpu.memory_space<vmem>> -> memref<1x128xi32, #tpu.memory_space<vmem>>
        %dma_start3A_492 = tpu.memref_squeeze %dma_start3A_491 : memref<1x128xi32, #tpu.memory_space<vmem>> -> memref<128xi32, #tpu.memory_space<vmem>>
        %dma_start3A_493 = arith.constant 0 : i32
        %dma_start3A_494 = arith.constant 0 : i32
        %dma_start3A_495 = tpu.memref_slice %arg3[%dma_start3A_493, %dma_start3A_494] : memref<1000000x128xf32, #tpu.memory_space<hbm>> -> memref<1000000x128xf32, #tpu.memory_space<hbm>>
        tpu.enqueue_indirect_dma source(%dma_start3A_495 : memref<1000000x128xf32, #tpu.memory_space<hbm>>) target(%dma_start3A_489 : memref<128x128xf32, #tpu.memory_space<vmem>>) offsets(%dma_start3A_492 : memref<128xi32, #tpu.memory_space<vmem>>) semaphore(%arg9 : memref<!tpu.dma_semaphore, #tpu.memory_space<semaphore_mem>>)
      } else {
      }
      %add3A_281 = arith.constant 1 : i32
      %add3A_282 = arith.addi %mul3A_74, %add3A_281 : i32
      %dma_wait3A_283 = arith.constant 1 : i32
      %dma_wait3A_284 = arith.constant 0 : i32
      %dma_wait3A_285 = arith.constant 0 : i32
      %dma_wait3A_286 = tpu.memref_slice %arg6[%dma_wait3A_283, %dma_wait3A_284, %dma_wait3A_285] : memref<2x128x128xf32, #tpu.memory_space<vmem>> -> memref<1x128x128xf32, #tpu.memory_space<vmem>>
      %dma_wait3A_287 = tpu.memref_squeeze %dma_wait3A_286 : memref<1x128x128xf32, #tpu.memory_space<vmem>> -> memref<128x128xf32, #tpu.memory_space<vmem>>
      %dma_wait3A_288 = arith.constant 0 : i32
      %dma_wait3A_289 = arith.constant 0 : i32
      %dma_wait3A_290 = tpu.memref_slice %arg3[%dma_wait3A_288, %dma_wait3A_289] : memref<1000000x128xf32, #tpu.memory_space<hbm>> -> memref<128x128xf32, #tpu.memory_space<hbm>>
      %dma_wait3A_291 = arith.constant 0 : i32
      %dma_wait3A_292 = arith.constant 0 : i32
      %dma_wait3A_293 = tpu.memref_slice %arg6[%dma_wait3A_283, %dma_wait3A_291, %dma_wait3A_292] : memref<2x128x128xf32, #tpu.memory_space<vmem>> -> memref<1x128x128xf32, #tpu.memory_space<vmem>>
      %dma_wait3A_294 = tpu.memref_squeeze %dma_wait3A_293 : memref<1x128x128xf32, #tpu.memory_space<vmem>> -> memref<128x128xf32, #tpu.memory_space<vmem>>
      %dma_wait3A_295 = arith.constant 0 : i32
      %dma_wait3A_296 = arith.constant 0 : i32
      %dma_wait3A_297 = tpu.memref_slice %arg3[%dma_wait3A_295, %dma_wait3A_296] : memref<1000000x128xf32, #tpu.memory_space<hbm>> -> memref<128x128xf32, #tpu.memory_space<hbm>>
      tpu.wait_dma2 semaphore(%arg10 : memref<!tpu.dma_semaphore, #tpu.memory_space<semaphore_mem>>) src(%dma_wait3A_297 : memref<128x128xf32, #tpu.memory_space<hbm>>) dst(%dma_wait3A_294 : memref<128x128xf32, #tpu.memory_space<vmem>>)
      %ge3A_298 = arith.constant 2 : i32
      %ge3A_299 = arith.cmpi sge, %add3A_282, %ge3A_298 : i32
      %convert_element_type3A_300 = arith.extui %ge3A_299 : i1 to i32
      %cond3A_301 = arith.constant 0 : i32
      %cond3A_302 = arith.cmpi ne, %convert_element_type3A_300, %cond3A_301 : i32
      scf.if %cond3A_302 {
        %dma_wait3A_483 = arith.constant 1 : i32
        %dma_wait3A_484 = arith.constant 0 : i32
        %dma_wait3A_485 = arith.constant 0 : i32
        %dma_wait3A_486 = tpu.memref_slice %arg6[%dma_wait3A_483, %dma_wait3A_484, %dma_wait3A_485] : memref<2x128x128xf32, #tpu.memory_space<vmem>> -> memref<1x64x128xf32, #tpu.memory_space<vmem>>
        %dma_wait3A_487 = tpu.memref_squeeze %dma_wait3A_486 : memref<1x64x128xf32, #tpu.memory_space<vmem>> -> memref<64x128xf32, #tpu.memory_space<vmem>>
        %dma_wait3A_488 = arith.constant 0 : i32
        %dma_wait3A_489 = arith.constant 0 : i32
        %dma_wait3A_490 = tpu.memref_slice %arg3[%dma_wait3A_488, %dma_wait3A_489] : memref<1000000x128xf32, #tpu.memory_space<hbm>> -> memref<64x128xf32, #tpu.memory_space<hbm>>
        %dma_wait3A_491 = arith.constant 0 : i32
        %dma_wait3A_492 = arith.constant 0 : i32
        %dma_wait3A_493 = tpu.memref_slice %arg6[%dma_wait3A_483, %dma_wait3A_491, %dma_wait3A_492] : memref<2x128x128xf32, #tpu.memory_space<vmem>> -> memref<1x64x128xf32, #tpu.memory_space<vmem>>
        %dma_wait3A_494 = tpu.memref_squeeze %dma_wait3A_493 : memref<1x64x128xf32, #tpu.memory_space<vmem>> -> memref<64x128xf32, #tpu.memory_space<vmem>>
        %dma_wait3A_495 = arith.constant 0 : i32
        %dma_wait3A_496 = arith.constant 0 : i32
        %dma_wait3A_497 = tpu.memref_slice %arg3[%dma_wait3A_495, %dma_wait3A_496] : memref<1000000x128xf32, #tpu.memory_space<hbm>> -> memref<64x128xf32, #tpu.memory_space<hbm>>
        tpu.wait_dma2 semaphore(%arg12 : memref<!tpu.dma_semaphore, #tpu.memory_space<semaphore_mem>>) src(%dma_wait3A_497 : memref<64x128xf32, #tpu.memory_space<hbm>>) dst(%dma_wait3A_494 : memref<64x128xf32, #tpu.memory_space<vmem>>)
      } else {
      }
      %parallel_loop3A_303 = arith.constant 0 : i32
      %parallel_loop3A_304 = arith.constant 128 : i32
      %parallel_loop3A_305 = arith.constant 1 : i32
      scf.for %parallel_loop3A_483 = %parallel_loop3A_303 to %parallel_loop3A_304 step %parallel_loop3A_305  : i32 {
        %parallel_loop3A_484 = vector.broadcast %parallel_loop3A_483 : i32 to vector<16xi32>
        %parallel_loop3A_485 = arith.constant 1 : i32
        %parallel_loop3A_486 = arith.index_cast %parallel_loop3A_485 : i32 to index
        %parallel_loop3A_487 = arith.index_cast %parallel_loop3A_483 : i32 to index
        %parallel_loop3A_488 = arith.constant 0 : index
        %parallel_loop3A_489 = tpu.vector_load %arg6[%parallel_loop3A_486, %parallel_loop3A_487, %parallel_loop3A_488] {strides = array<i32>} : memref<2x128x128xf32, #tpu.memory_space<vmem>>, vector<16xf32>,
        tpu.vector_store_idx %arg8[%add3A_5, %parallel_loop3A_484], %parallel_loop3A_489 : memref<64x132xf32, #tpu.memory_space<vmem>>[vector<16xi32>, vector<16xi32>], vector<16xf32>,
        %parallel_loop3A_490 = arith.constant 1 : i32
        %parallel_loop3A_491 = arith.index_cast %parallel_loop3A_490 : i32 to index
        %parallel_loop3A_492 = arith.index_cast %parallel_loop3A_483 : i32 to index
        %parallel_loop3A_493 = arith.constant 16 : index
        %parallel_loop3A_494 = tpu.vector_load %arg6[%parallel_loop3A_491, %parallel_loop3A_492, %parallel_loop3A_493] {strides = array<i32>} : memref<2x128x128xf32, #tpu.memory_space<vmem>>, vector<16xf32>,
        tpu.vector_store_idx %arg8[%add3A_8, %parallel_loop3A_484], %parallel_loop3A_494 : memref<64x132xf32, #tpu.memory_space<vmem>>[vector<16xi32>, vector<16xi32>], vector<16xf32>,
        %parallel_loop3A_495 = arith.constant 1 : i32
        %parallel_loop3A_496 = arith.index_cast %parallel_loop3A_495 : i32 to index
        %parallel_loop3A_497 = arith.index_cast %parallel_loop3A_483 : i32 to index
        %parallel_loop3A_498 = arith.constant 32 : index
        %parallel_loop3A_499 = tpu.vector_load %arg6[%parallel_loop3A_496, %parallel_loop3A_497, %parallel_loop3A_498] {strides = array<i32>} : memref<2x128x128xf32, #tpu.memory_space<vmem>>, vector<16xf32>,
        tpu.vector_store_idx %arg8[%add3A_11, %parallel_loop3A_484], %parallel_loop3A_499 : memref<64x132xf32, #tpu.memory_space<vmem>>[vector<16xi32>, vector<16xi32>], vector<16xf32>,
        %parallel_loop3A_500 = arith.constant 1 : i32
        %parallel_loop3A_501 = arith.index_cast %parallel_loop3A_500 : i32 to index
        %parallel_loop3A_502 = arith.index_cast %parallel_loop3A_483 : i32 to index
        %parallel_loop3A_503 = arith.constant 48 : index
        %parallel_loop3A_504 = tpu.vector_load %arg6[%parallel_loop3A_501, %parallel_loop3A_502, %parallel_loop3A_503] {strides = array<i32>} : memref<2x128x128xf32, #tpu.memory_space<vmem>>, vector<16xf32>,
        tpu.vector_store_idx %arg8[%add3A_14, %parallel_loop3A_484], %parallel_loop3A_504 : memref<64x132xf32, #tpu.memory_space<vmem>>[vector<16xi32>, vector<16xi32>], vector<16xf32>,
      } {sc.loop_unroll_factor = 8 : i64, sc.parallel_access}
      %add3A_306 = arith.addi %mul3A_2, %add3A_282 : i32
      %jit3A_307 = arith.constant 32 : i32
      %div3A_308 = arith.divsi %add3A_306, %jit3A_307 : i32
      %sign3A_309 = arith.constant 0 : i32
      %sign3A_310 = arith.cmpi sgt, %add3A_306, %sign3A_309 : i32
      %sign3A_311 = arith.extui %sign3A_310 : i1 to i32
      %sign3A_312 = arith.constant 0 : i32
      %sign3A_313 = arith.cmpi slt, %add3A_306, %sign3A_312 : i32
      %sign3A_314 = arith.extui %sign3A_313 : i1 to i32
      %sign3A_315 = arith.subi %sign3A_311, %sign3A_314 : i32
      %sign3A_316 = arith.constant 0 : i32
      %sign3A_317 = arith.cmpi sgt, %jit3A_307, %sign3A_316 : i32
      %sign3A_318 = arith.extui %sign3A_317 : i1 to i32
      %sign3A_319 = arith.constant 0 : i32
      %sign3A_320 = arith.cmpi slt, %jit3A_307, %sign3A_319 : i32
      %sign3A_321 = arith.extui %sign3A_320 : i1 to i32
      %sign3A_322 = arith.subi %sign3A_318, %sign3A_321 : i32
      %ne3A_323 = arith.cmpi ne, %sign3A_315, %sign3A_322 : i32
      %rem3A_324 = arith.remsi %add3A_306, %jit3A_307 : i32
      %ne3A_325 = arith.constant 0 : i32
      %ne3A_326 = arith.cmpi ne, %rem3A_324, %ne3A_325 : i32
      %and3A_327 = arith.andi %ne3A_323, %ne3A_326 : i1
      %sub3A_328 = arith.constant 1 : i32
      %sub3A_329 = arith.subi %div3A_308, %sub3A_328 : i32
      %select_n3A_330 = arith.select %and3A_327, %sub3A_329, %div3A_308 : i32
      %jit3A_331 = arith.constant 32 : i32
      %eq3A_332 = arith.constant 0 : i32
      %eq3A_333 = arith.cmpi eq, %jit3A_331, %eq3A_332 : i32
      %jit3A_334 = arith.constant 1 : i32
      %select_n3A_335 = arith.select %eq3A_333, %jit3A_334, %jit3A_331 : i32
      %rem3A_336 = arith.remsi %add3A_306, %select_n3A_335 : i32
      %ne3A_337 = arith.constant 0 : i32
      %ne3A_338 = arith.cmpi ne, %rem3A_336, %ne3A_337 : i32
      %lt3A_339 = arith.constant 0 : i32
      %lt3A_340 = arith.cmpi slt, %rem3A_336, %lt3A_339 : i32
      %lt3A_341 = arith.constant 0 : i32
      %lt3A_342 = arith.cmpi slt, %select_n3A_335, %lt3A_341 : i32
      %ne3A_343 = arith.xori %lt3A_340, %lt3A_342 : i1
      %and3A_344 = arith.andi %ne3A_343, %ne3A_338 : i1
      %add3A_345 = arith.addi %rem3A_336, %select_n3A_335 : i32
      %select_n3A_346 = arith.select %and3A_344, %add3A_345, %rem3A_336 : i32
      %mul3A_347 = arith.constant 2048 : i32
      %mul3A_348 = arith.muli %select_n3A_330, %mul3A_347 : i32
      %add3A_349 = arith.constant 0 : i32
      %add3A_350 = arith.addi %mul3A_348, %add3A_349 : i32
      %mul3A_351 = arith.constant 8 : i32
      %mul3A_352 = arith.muli %select_n3A_346, %mul3A_351 : i32
      %add3A_353 = arith.addi %add3A_350, %mul3A_352 : i32
      %dma_start3A_354 = arith.constant 0 : i32
      %dma_start3A_355 = arith.constant 0 : i32
      %dma_start3A_356 = tpu.memref_slice %arg8[%dma_start3A_354, %dma_start3A_355] : memref<64x132xf32, #tpu.memory_space<vmem>> -> memref<8x128xf32, #tpu.memory_space<vmem>>
      %dma_start3A_357 = arith.constant 0 : i32
      %dma_start3A_358 = tpu.memref_slice %arg4[%add3A_353, %dma_start3A_357] : memref<409600x128xf32, #tpu.memory_space<hbm>> -> memref<8x128xf32, #tpu.memory_space<hbm>>
      %dma_start3A_359 = arith.constant 0 : i32
      %dma_start3A_360 = tpu.memref_slice %arg4[%add3A_353, %dma_start3A_359] : memref<409600x128xf32, #tpu.memory_space<hbm>> -> memref<8x128xf32, #tpu.memory_space<hbm>>
      %dma_start3A_361 = arith.constant 0 : i32
      %dma_start3A_362 = arith.constant 0 : i32
      %dma_start3A_363 = tpu.memref_slice %arg8[%dma_start3A_361, %dma_start3A_362] : memref<64x132xf32, #tpu.memory_space<vmem>> -> memref<8x128xf32, #tpu.memory_space<vmem>>
      tpu.enqueue_dma source(%dma_start3A_363 : memref<8x128xf32, #tpu.memory_space<vmem>>) target(%dma_start3A_360 : memref<8x128xf32, #tpu.memory_space<hbm>>) target_semaphore(%arg12 : memref<!tpu.dma_semaphore, #tpu.memory_space<semaphore_mem>>)
      %mul3A_364 = arith.constant 2048 : i32
      %mul3A_365 = arith.muli %select_n3A_330, %mul3A_364 : i32
      %add3A_366 = arith.constant 256 : i32
      %add3A_367 = arith.addi %mul3A_365, %add3A_366 : i32
      %mul3A_368 = arith.constant 8 : i32
      %mul3A_369 = arith.muli %select_n3A_346, %mul3A_368 : i32
      %add3A_370 = arith.addi %add3A_367, %mul3A_369 : i32
      %dma_start3A_371 = arith.constant 8 : i32
      %dma_start3A_372 = arith.constant 0 : i32
      %dma_start3A_373 = tpu.memref_slice %arg8[%dma_start3A_371, %dma_start3A_372] : memref<64x132xf32, #tpu.memory_space<vmem>> -> memref<8x128xf32, #tpu.memory_space<vmem>>
      %dma_start3A_374 = arith.constant 0 : i32
      %dma_start3A_375 = tpu.memref_slice %arg4[%add3A_370, %dma_start3A_374] : memref<409600x128xf32, #tpu.memory_space<hbm>> -> memref<8x128xf32, #tpu.memory_space<hbm>>
      %dma_start3A_376 = arith.constant 0 : i32
      %dma_start3A_377 = tpu.memref_slice %arg4[%add3A_370, %dma_start3A_376] : memref<409600x128xf32, #tpu.memory_space<hbm>> -> memref<8x128xf32, #tpu.memory_space<hbm>>
      %dma_start3A_378 = arith.constant 8 : i32
      %dma_start3A_379 = arith.constant 0 : i32
      %dma_start3A_380 = tpu.memref_slice %arg8[%dma_start3A_378, %dma_start3A_379] : memref<64x132xf32, #tpu.memory_space<vmem>> -> memref<8x128xf32, #tpu.memory_space<vmem>>
      tpu.enqueue_dma source(%dma_start3A_380 : memref<8x128xf32, #tpu.memory_space<vmem>>) target(%dma_start3A_377 : memref<8x128xf32, #tpu.memory_space<hbm>>) target_semaphore(%arg12 : memref<!tpu.dma_semaphore, #tpu.memory_space<semaphore_mem>>)
      %mul3A_381 = arith.constant 2048 : i32
      %mul3A_382 = arith.muli %select_n3A_330, %mul3A_381 : i32
      %add3A_383 = arith.constant 512 : i32
      %add3A_384 = arith.addi %mul3A_382, %add3A_383 : i32
      %mul3A_385 = arith.constant 8 : i32
      %mul3A_386 = arith.muli %select_n3A_346, %mul3A_385 : i32
      %add3A_387 = arith.addi %add3A_384, %mul3A_386 : i32
      %dma_start3A_388 = arith.constant 16 : i32
      %dma_start3A_389 = arith.constant 0 : i32
      %dma_start3A_390 = tpu.memref_slice %arg8[%dma_start3A_388, %dma_start3A_389] : memref<64x132xf32, #tpu.memory_space<vmem>> -> memref<8x128xf32, #tpu.memory_space<vmem>>
      %dma_start3A_391 = arith.constant 0 : i32
      %dma_start3A_392 = tpu.memref_slice %arg4[%add3A_387, %dma_start3A_391] : memref<409600x128xf32, #tpu.memory_space<hbm>> -> memref<8x128xf32, #tpu.memory_space<hbm>>
      %dma_start3A_393 = arith.constant 0 : i32
      %dma_start3A_394 = tpu.memref_slice %arg4[%add3A_387, %dma_start3A_393] : memref<409600x128xf32, #tpu.memory_space<hbm>> -> memref<8x128xf32, #tpu.memory_space<hbm>>
      %dma_start3A_395 = arith.constant 16 : i32
      %dma_start3A_396 = arith.constant 0 : i32
      %dma_start3A_397 = tpu.memref_slice %arg8[%dma_start3A_395, %dma_start3A_396] : memref<64x132xf32, #tpu.memory_space<vmem>> -> memref<8x128xf32, #tpu.memory_space<vmem>>
      tpu.enqueue_dma source(%dma_start3A_397 : memref<8x128xf32, #tpu.memory_space<vmem>>) target(%dma_start3A_394 : memref<8x128xf32, #tpu.memory_space<hbm>>) target_semaphore(%arg12 : memref<!tpu.dma_semaphore, #tpu.memory_space<semaphore_mem>>)
      %mul3A_398 = arith.constant 2048 : i32
      %mul3A_399 = arith.muli %select_n3A_330, %mul3A_398 : i32
      %add3A_400 = arith.constant 768 : i32
      %add3A_401 = arith.addi %mul3A_399, %add3A_400 : i32
      %mul3A_402 = arith.constant 8 : i32
      %mul3A_403 = arith.muli %select_n3A_346, %mul3A_402 : i32
      %add3A_404 = arith.addi %add3A_401, %mul3A_403 : i32
      %dma_start3A_405 = arith.constant 24 : i32
      %dma_start3A_406 = arith.constant 0 : i32
      %dma_start3A_407 = tpu.memref_slice %arg8[%dma_start3A_405, %dma_start3A_406] : memref<64x132xf32, #tpu.memory_space<vmem>> -> memref<8x128xf32, #tpu.memory_space<vmem>>
      %dma_start3A_408 = arith.constant 0 : i32
      %dma_start3A_409 = tpu.memref_slice %arg4[%add3A_404, %dma_start3A_408] : memref<409600x128xf32, #tpu.memory_space<hbm>> -> memref<8x128xf32, #tpu.memory_space<hbm>>
      %dma_start3A_410 = arith.constant 0 : i32
      %dma_start3A_411 = tpu.memref_slice %arg4[%add3A_404, %dma_start3A_410] : memref<409600x128xf32, #tpu.memory_space<hbm>> -> memref<8x128xf32, #tpu.memory_space<hbm>>
      %dma_start3A_412 = arith.constant 24 : i32
      %dma_start3A_413 = arith.constant 0 : i32
      %dma_start3A_414 = tpu.memref_slice %arg8[%dma_start3A_412, %dma_start3A_413] : memref<64x132xf32, #tpu.memory_space<vmem>> -> memref<8x128xf32, #tpu.memory_space<vmem>>
      tpu.enqueue_dma source(%dma_start3A_414 : memref<8x128xf32, #tpu.memory_space<vmem>>) target(%dma_start3A_411 : memref<8x128xf32, #tpu.memory_space<hbm>>) target_semaphore(%arg12 : memref<!tpu.dma_semaphore, #tpu.memory_space<semaphore_mem>>)
      %mul3A_415 = arith.constant 2048 : i32
      %mul3A_416 = arith.muli %select_n3A_330, %mul3A_415 : i32
      %add3A_417 = arith.constant 1024 : i32
      %add3A_418 = arith.addi %mul3A_416, %add3A_417 : i32
      %mul3A_419 = arith.constant 8 : i32
      %mul3A_420 = arith.muli %select_n3A_346, %mul3A_419 : i32
      %add3A_421 = arith.addi %add3A_418, %mul3A_420 : i32
      %dma_start3A_422 = arith.constant 32 : i32
      %dma_start3A_423 = arith.constant 0 : i32
      %dma_start3A_424 = tpu.memref_slice %arg8[%dma_start3A_422, %dma_start3A_423] : memref<64x132xf32, #tpu.memory_space<vmem>> -> memref<8x128xf32, #tpu.memory_space<vmem>>
      %dma_start3A_425 = arith.constant 0 : i32
      %dma_start3A_426 = tpu.memref_slice %arg4[%add3A_421, %dma_start3A_425] : memref<409600x128xf32, #tpu.memory_space<hbm>> -> memref<8x128xf32, #tpu.memory_space<hbm>>
      %dma_start3A_427 = arith.constant 0 : i32
      %dma_start3A_428 = tpu.memref_slice %arg4[%add3A_421, %dma_start3A_427] : memref<409600x128xf32, #tpu.memory_space<hbm>> -> memref<8x128xf32, #tpu.memory_space<hbm>>
      %dma_start3A_429 = arith.constant 32 : i32
      %dma_start3A_430 = arith.constant 0 : i32
      %dma_start3A_431 = tpu.memref_slice %arg8[%dma_start3A_429, %dma_start3A_430] : memref<64x132xf32, #tpu.memory_space<vmem>> -> memref<8x128xf32, #tpu.memory_space<vmem>>
      tpu.enqueue_dma source(%dma_start3A_431 : memref<8x128xf32, #tpu.memory_space<vmem>>) target(%dma_start3A_428 : memref<8x128xf32, #tpu.memory_space<hbm>>) target_semaphore(%arg12 : memref<!tpu.dma_semaphore, #tpu.memory_space<semaphore_mem>>)
      %mul3A_432 = arith.constant 2048 : i32
      %mul3A_433 = arith.muli %select_n3A_330, %mul3A_432 : i32
      %add3A_434 = arith.constant 1280 : i32
      %add3A_435 = arith.addi %mul3A_433, %add3A_434 : i32
      %mul3A_436 = arith.constant 8 : i32
      %mul3A_437 = arith.muli %select_n3A_346, %mul3A_436 : i32
      %add3A_438 = arith.addi %add3A_435, %mul3A_437 : i32
      %dma_start3A_439 = arith.constant 40 : i32
      %dma_start3A_440 = arith.constant 0 : i32
      %dma_start3A_441 = tpu.memref_slice %arg8[%dma_start3A_439, %dma_start3A_440] : memref<64x132xf32, #tpu.memory_space<vmem>> -> memref<8x128xf32, #tpu.memory_space<vmem>>
      %dma_start3A_442 = arith.constant 0 : i32
      %dma_start3A_443 = tpu.memref_slice %arg4[%add3A_438, %dma_start3A_442] : memref<409600x128xf32, #tpu.memory_space<hbm>> -> memref<8x128xf32, #tpu.memory_space<hbm>>
      %dma_start3A_444 = arith.constant 0 : i32
      %dma_start3A_445 = tpu.memref_slice %arg4[%add3A_438, %dma_start3A_444] : memref<409600x128xf32, #tpu.memory_space<hbm>> -> memref<8x128xf32, #tpu.memory_space<hbm>>
      %dma_start3A_446 = arith.constant 40 : i32
      %dma_start3A_447 = arith.constant 0 : i32
      %dma_start3A_448 = tpu.memref_slice %arg8[%dma_start3A_446, %dma_start3A_447] : memref<64x132xf32, #tpu.memory_space<vmem>> -> memref<8x128xf32, #tpu.memory_space<vmem>>
      tpu.enqueue_dma source(%dma_start3A_448 : memref<8x128xf32, #tpu.memory_space<vmem>>) target(%dma_start3A_445 : memref<8x128xf32, #tpu.memory_space<hbm>>) target_semaphore(%arg12 : memref<!tpu.dma_semaphore, #tpu.memory_space<semaphore_mem>>)
      %mul3A_449 = arith.constant 2048 : i32
      %mul3A_450 = arith.muli %select_n3A_330, %mul3A_449 : i32
      %add3A_451 = arith.constant 1536 : i32
      %add3A_452 = arith.addi %mul3A_450, %add3A_451 : i32
      %mul3A_453 = arith.constant 8 : i32
      %mul3A_454 = arith.muli %select_n3A_346, %mul3A_453 : i32
      %add3A_455 = arith.addi %add3A_452, %mul3A_454 : i32
      %dma_start3A_456 = arith.constant 48 : i32
      %dma_start3A_457 = arith.constant 0 : i32
      %dma_start3A_458 = tpu.memref_slice %arg8[%dma_start3A_456, %dma_start3A_457] : memref<64x132xf32, #tpu.memory_space<vmem>> -> memref<8x128xf32, #tpu.memory_space<vmem>>
      %dma_start3A_459 = arith.constant 0 : i32
      %dma_start3A_460 = tpu.memref_slice %arg4[%add3A_455, %dma_start3A_459] : memref<409600x128xf32, #tpu.memory_space<hbm>> -> memref<8x128xf32, #tpu.memory_space<hbm>>
      %dma_start3A_461 = arith.constant 0 : i32
      %dma_start3A_462 = tpu.memref_slice %arg4[%add3A_455, %dma_start3A_461] : memref<409600x128xf32, #tpu.memory_space<hbm>> -> memref<8x128xf32, #tpu.memory_space<hbm>>
      %dma_start3A_463 = arith.constant 48 : i32
      %dma_start3A_464 = arith.constant 0 : i32
      %dma_start3A_465 = tpu.memref_slice %arg8[%dma_start3A_463, %dma_start3A_464] : memref<64x132xf32, #tpu.memory_space<vmem>> -> memref<8x128xf32, #tpu.memory_space<vmem>>
      tpu.enqueue_dma source(%dma_start3A_465 : memref<8x128xf32, #tpu.memory_space<vmem>>) target(%dma_start3A_462 : memref<8x128xf32, #tpu.memory_space<hbm>>) target_semaphore(%arg12 : memref<!tpu.dma_semaphore, #tpu.memory_space<semaphore_mem>>)
      %mul3A_466 = arith.constant 2048 : i32
      %mul3A_467 = arith.muli %select_n3A_330, %mul3A_466 : i32
      %add3A_468 = arith.constant 1792 : i32
      %add3A_469 = arith.addi %mul3A_467, %add3A_468 : i32
      %mul3A_470 = arith.constant 8 : i32
      %mul3A_471 = arith.muli %select_n3A_346, %mul3A_470 : i32
      %add3A_472 = arith.addi %add3A_469, %mul3A_471 : i32
      %dma_start3A_473 = arith.constant 56 : i32
      %dma_start3A_474 = arith.constant 0 : i32
      %dma_start3A_475 = tpu.memref_slice %arg8[%dma_start3A_473, %dma_start3A_474] : memref<64x132xf32, #tpu.memory_space<vmem>> -> memref<8x128xf32, #tpu.memory_space<vmem>>
      %dma_start3A_476 = arith.constant 0 : i32
      %dma_start3A_477 = tpu.memref_slice %arg4[%add3A_472, %dma_start3A_476] : memref<409600x128xf32, #tpu.memory_space<hbm>> -> memref<8x128xf32, #tpu.memory_space<hbm>>
      %dma_start3A_478 = arith.constant 0 : i32
      %dma_start3A_479 = tpu.memref_slice %arg4[%add3A_472, %dma_start3A_478] : memref<409600x128xf32, #tpu.memory_space<hbm>> -> memref<8x128xf32, #tpu.memory_space<hbm>>
      %dma_start3A_480 = arith.constant 56 : i32
      %dma_start3A_481 = arith.constant 0 : i32
      %dma_start3A_482 = tpu.memref_slice %arg8[%dma_start3A_480, %dma_start3A_481] : memref<64x132xf32, #tpu.memory_space<vmem>> -> memref<8x128xf32, #tpu.memory_space<vmem>>
      tpu.enqueue_dma source(%dma_start3A_482 : memref<8x128xf32, #tpu.memory_space<vmem>>) target(%dma_start3A_479 : memref<8x128xf32, #tpu.memory_space<hbm>>) target_semaphore(%arg12 : memref<!tpu.dma_semaphore, #tpu.memory_space<semaphore_mem>>)
    }
    %scan3A_42 = arith.constant 100 : i32
    %dma_wait3A = arith.constant 0 : i32
    %dma_wait3A_43 = arith.constant 0 : i32
    %dma_wait3A_44 = arith.constant 0 : i32
    %dma_wait3A_45 = tpu.memref_slice %arg6[%dma_wait3A, %dma_wait3A_43, %dma_wait3A_44] : memref<2x128x128xf32, #tpu.memory_space<vmem>> -> memref<1x64x128xf32, #tpu.memory_space<vmem>>
    %dma_wait3A_46 = tpu.memref_squeeze %dma_wait3A_45 : memref<1x64x128xf32, #tpu.memory_space<vmem>> -> memref<64x128xf32, #tpu.memory_space<vmem>>
    %dma_wait3A_47 = arith.constant 0 : i32
    %dma_wait3A_48 = arith.constant 0 : i32
    %dma_wait3A_49 = tpu.memref_slice %arg3[%dma_wait3A_47, %dma_wait3A_48] : memref<1000000x128xf32, #tpu.memory_space<hbm>> -> memref<64x128xf32, #tpu.memory_space<hbm>>
    %dma_wait3A_50 = arith.constant 0 : i32
    %dma_wait3A_51 = arith.constant 0 : i32
    %dma_wait3A_52 = tpu.memref_slice %arg6[%dma_wait3A, %dma_wait3A_50, %dma_wait3A_51] : memref<2x128x128xf32, #tpu.memory_space<vmem>> -> memref<1x64x128xf32, #tpu.memory_space<vmem>>
    %dma_wait3A_53 = tpu.memref_squeeze %dma_wait3A_52 : memref<1x64x128xf32, #tpu.memory_space<vmem>> -> memref<64x128xf32, #tpu.memory_space<vmem>>
    %dma_wait3A_54 = arith.constant 0 : i32
    %dma_wait3A_55 = arith.constant 0 : i32
    %dma_wait3A_56 = tpu.memref_slice %arg3[%dma_wait3A_54, %dma_wait3A_55] : memref<1000000x128xf32, #tpu.memory_space<hbm>> -> memref<64x128xf32, #tpu.memory_space<hbm>>
    tpu.wait_dma2 semaphore(%arg11 : memref<!tpu.dma_semaphore, #tpu.memory_space<semaphore_mem>>) src(%dma_wait3A_56 : memref<64x128xf32, #tpu.memory_space<hbm>>) dst(%dma_wait3A_53 : memref<64x128xf32, #tpu.memory_space<vmem>>)
    %dma_wait3A_57 = arith.constant 1 : i32
    %dma_wait3A_58 = arith.constant 0 : i32
    %dma_wait3A_59 = arith.constant 0 : i32
    %dma_wait3A_60 = tpu.memref_slice %arg6[%dma_wait3A_57, %dma_wait3A_58, %dma_wait3A_59] : memref<2x128x128xf32, #tpu.memory_space<vmem>> -> memref<1x64x128xf32, #tpu.memory_space<vmem>>
    %dma_wait3A_61 = tpu.memref_squeeze %dma_wait3A_60 : memref<1x64x128xf32, #tpu.memory_space<vmem>> -> memref<64x128xf32, #tpu.memory_space<vmem>>
    %dma_wait3A_62 = arith.constant 0 : i32
    %dma_wait3A_63 = arith.constant 0 : i32
    %dma_wait3A_64 = tpu.memref_slice %arg3[%dma_wait3A_62, %dma_wait3A_63] : memref<1000000x128xf32, #tpu.memory_space<hbm>> -> memref<64x128xf32, #tpu.memory_space<hbm>>
    %dma_wait3A_65 = arith.constant 0 : i32
    %dma_wait3A_66 = arith.constant 0 : i32
    %dma_wait3A_67 = tpu.memref_slice %arg6[%dma_wait3A_57, %dma_wait3A_65, %dma_wait3A_66] : memref<2x128x128xf32, #tpu.memory_space<vmem>> -> memref<1x64x128xf32, #tpu.memory_space<vmem>>
    %dma_wait3A_68 = tpu.memref_squeeze %dma_wait3A_67 : memref<1x64x128xf32, #tpu.memory_space<vmem>> -> memref<64x128xf32, #tpu.memory_space<vmem>>
    %dma_wait3A_69 = arith.constant 0 : i32
    %dma_wait3A_70 = arith.constant 0 : i32
    %dma_wait3A_71 = tpu.memref_slice %arg3[%dma_wait3A_69, %dma_wait3A_70] : memref<1000000x128xf32, #tpu.memory_space<hbm>> -> memref<64x128xf32, #tpu.memory_space<hbm>>
    tpu.wait_dma2 semaphore(%arg12 : memref<!tpu.dma_semaphore, #tpu.memory_space<semaphore_mem>>) src(%dma_wait3A_71 : memref<64x128xf32, #tpu.memory_space<hbm>>) dst(%dma_wait3A_68 : memref<64x128xf32, #tpu.memory_space<vmem>>)
    return
  }
}

module attributes {stable_mosaic.version = 14 : i64} {
  func.func @_transpose_body(%arg0: i32, %arg1: memref<64x8192xf32, #tpu.memory_space<vmem>>, %arg2: memref<8192x128xf32, #tpu.memory_space<vmem>>) attributes {dimension_semantics = [#tpu.dimension_semantics<arbitrary>], iteration_bounds = array<i64: 123>, scalar_prefetch = 0 : i64, scratch_operands = 0 : i64, tpu.core_type = #tpu.core_type<tc>, window_params = [{transform_indices = @transform_0, window_bounds = array<i64: 64, 8192>}, {transform_indices = @transform_1, window_bounds = array<i64: 8192, 128>}]} {
    %get3A = arith.constant 0 : index
    %get3A_0 = arith.constant 0 : index
    %get3A_1 = vector.load %arg1[%get3A, %get3A_0] : memref<64x8192xf32, #tpu.memory_space<vmem>>, vector<64x8192xf32>
    %iota3A = tpu.iota {dimensions = array<i32: 0>} : vector<64x128xi32>
    %iota3A_2 = tpu.iota {dimensions = array<i32: 1>} : vector<64x128xi32>
    %jit3A = arith.constant 64 : i32
    %eq3A = arith.constant 0 : i32
    %eq3A_3 = arith.cmpi eq, %jit3A, %eq3A : i32
    %jit3A_4 = arith.constant 1 : i32
    %select_n3A = arith.select %eq3A_3, %jit3A_4, %jit3A : i32
    %rem3A = vector.broadcast %select_n3A : i32 to vector<64x128xi32>
    %rem3A_5 = arith.remsi %iota3A_2, %rem3A : vector<64x128xi32>
    %ne3A = arith.constant 0 : i32
    %ne3A_6 = vector.broadcast %ne3A : i32 to vector<64x128xi32>
    %ne3A_7 = arith.cmpi ne, %rem3A_5, %ne3A_6 : vector<64x128xi32>
    %lt3A = arith.constant 0 : i32
    %lt3A_8 = vector.broadcast %lt3A : i32 to vector<64x128xi32>
    %lt3A_9 = arith.cmpi slt, %rem3A_5, %lt3A_8 : vector<64x128xi32>
    %lt3A_10 = arith.constant 0 : i32
    %lt3A_11 = arith.cmpi slt, %select_n3A, %lt3A_10 : i32
    %ne3A_12 = vector.broadcast %lt3A_11 : i1 to vector<64x128xi1>
    %ne3A_13 = vector.broadcast %ne3A_12 : vector<64x128xi1> to vector<64x128xi1>
    %ne3A_14 = arith.xori %lt3A_9, %ne3A_13 : vector<64x128xi1>
    %and3A = arith.andi %ne3A_14, %ne3A_7 : vector<64x128xi1>
    %add3A = vector.broadcast %select_n3A : i32 to vector<64x128xi32>
    %add3A_15 = arith.addi %rem3A_5, %add3A : vector<64x128xi32>
    %select_n3A_16 = arith.select %and3A, %add3A_15, %rem3A_5 : vector<64x128xi1>, vector<64x128xi32>
    %eq3A_17 = arith.cmpi eq, %iota3A, %select_n3A_16 : vector<64x128xi32>
    %jit3A_18 = arith.constant 8.000000e+00 : f32
    %jit3A_19 = arith.constant 0.000000e+00 : f32
    %broadcast_in_dim3A = vector.broadcast %jit3A_18 : f32 to vector<64x128xf32>
    %broadcast_in_dim3A_20 = vector.broadcast %jit3A_19 : f32 to vector<64x128xf32>
    %select_n3A_21 = arith.select %eq3A_17, %broadcast_in_dim3A, %broadcast_in_dim3A_20 : vector<64x128xi1>, vector<64x128xf32>
    %dot_general3A = arith.constant dense<0.000000e+00> : vector<8192x128xf32>
    %dot_general3A_22 = tpu.matmul %get3A_1, %select_n3A_21, %dot_general3A {dimension_numbers = #tpu.dot_dimension_numbers<[0], [0], [1], [1], [0, 1, 1, 1], [], []>, transpose_lhs_hint = false} : vector<64x8192xf32>, vector<64x128xf32>, vector<8192x128xf32> -> vector<8192x128xf32>
    %swap3A = arith.constant 0 : index
    %swap3A_23 = arith.constant 0 : index
    %swap3A_24 = vector.load %arg2[%swap3A, %swap3A_23] : memref<8192x128xf32, #tpu.memory_space<vmem>>, vector<8192x128xf32>
    tpu.vector_store %arg2[%swap3A, %swap3A_23], %dot_general3A_22 {strides = array<i32>} : memref<8192x128xf32, #tpu.memory_space<vmem>>, vector<8192x128xf32>,
    return
  }
  func.func @transform_0(%arg0: i32) -> (i32, i32) {
    %c0_i32 = arith.constant 0 : i32
    %c0_i32_0 = arith.constant 0 : i32
    return %c0_i32, %arg0 : i32, i32
  }
  func.func @transform_1(%arg0: i32) -> (i32, i32) {
    %c0_i32 = arith.constant 0 : i32
    %c0_i32_0 = arith.constant 0 : i32
    return %arg0, %c0_i32 : i32, i32
  }
}

</mosaic_0001>

<sc_bundles>
// kernel: kernel.4.cloned.1.call-start
scs
__scs_entry_jumppad:
0x0: {  	(pc) =	sbr.rel $0x88, $3  }
0x1: {  	(tag) =	ssettag $0x0;
	lr =	simm.s32 $0x1  }
0x2: {  	[smem:$0x3F9F] =	sst lr;
	_ =	strace $0xD0000000  }
0x3: {  	_ = 	snop  }
0x4: {  	_ = 	snop  }
0x5: {  	_ = 	snop  }
0x6: {  	_ = 	snop  }
0x7: {  	_ = 	snop  }
__scs_overlays_trampoline_lowered:
0x8: {  	[smem:$0x3FAE] =	sst s0  }
0x9: {  	[smem:$0x3FAF] =	sst s1  }
0xa: {  	[smem:$0x3FB0] =	sst s2  }
0xb: {  	[smem:$0x3FB1] =	sst s3  }
0xc: {  	[smem:$0x3FB2] =	sst s4  }
0xd: {  	[smem:$0x3FB3] =	sst s5  }
0xe: {  	[smem:$0x3FB4] =	sst s6  }
0xf: {  	[smem:$0x3FB5] =	sst s7  }
0x10: {  	[smem:$0x3FB6] =	sst s8  }
0x11: {  	[smem:$0x3FB7] =	sst s9;
	s0 =	simm.s32 @!p0 $0x0  }
0x12: {  	s1 =	sld [smem:$0x3F9D];
	s0 =	simm.s32 @p0 $0x1  }
0x13: {  	[smem:$0x3FB8] =	sst s0;
	s0 =	simm.s32 @!p1 $0x0  }
0x14: {  	s2 =	sld [smem:$0x3F9C];
	s0 =	simm.s32 @p1 $0x1  }
0x15: {  	[smem:$0x3FB9] =	sst s0;
	s0 =	simm.s32 @!p2 $0x0  }
0x16: {  	s3 =	sld [smem:$0x3FDB];
	s0 =	simm.s32 @p2 $0x1  }
0x17: {  	s4 =	simm.s32 $0x1BF5;
	[smem:$0x3FBB] =	sst s0  }
0x18: {  	s0 =	sld [smem:$0x3F9E];
	_ =	swait.ge [sflag:s4], $0x0  }
0x19: {  	s7 =	sld [smem:$0x3F9F]  }
0x1a: {  	s8 =	sadd.s32 $0xFFFFE003, lr  }
0x1b: {  	s9 =	sadd.s32 $0xFFFFFEF7, lr;
	s5 =	simm.s32 $0xFFFFFFFF;
	p2 =	slt.u32 s8, $0xFFFFF086  }
0x1c: {  	p1 =	slt.u32 s9, $0xF7A;
	s5 =	simm.s32 @!p2 $0x0  }
0x1d: {  	s5 =	simm.s32 @p1 $0x1;
	p0 =	seq.s32 s7, s2  }
0x1e: {  	s7 =	smul.u32 @!p0 $0xF7A, s2;
	p2 =	seq.s32 @!p0 s5, $0x0  }
0x1f: {  	s9 =	smul.u32 $0xF7A, s1;
	s8 =	simm.s32 @!p0 $0x1BF5;
	p2 =	por !p2, p0  }
0x20: {  	[sflag:s8] =	ssyncset.s32 @!p0 $0xFFFFF086;
	s6 =	sadd.s32 @!p0 s3, s7;
	s7 =	simm.s32 @!p0 $0x108  }
0x21: {  	s3 =	sadd.s32 s3, s9;
	s6 =	sadd.s32 @!p0 $0x88, s6;
	s7 =	simm.s32 @p2 $0x1082  }
0x22: {  	[simem:s7], [sflag:s8] =	dma.local @!p0 [hbm:s6], $0xF7A  }
0x23: {  	s9 =	sor.u32 $0xD0000000, s2;
	s6 =	simm.s32 $0x108;
	_ =	swait.ge @!p0 [sflag:s8], $0x0  }
0x24: {  	s3 =	sadd.s32 $0x88, s3;
	s6 =	simm.s32 @!p1 $0x1082;
	[sflag:s4] =	ssyncset.s32 $0xFFFFF086  }
0x25: {  	[simem:s6], [sflag:s4] =	dma.local [hbm:s3], $0xF7A  }
0x26: {  	[smem:$0x3F9F] =	sst s1;
	(tag) =	ssettag s2;
	_ =	strace s9  }
0x27: {  	s1 =	sld [smem:$0x3FAF]  }
0x28: {  	s2 =	sld [smem:$0x3FB0]  }
0x29: {  	s4 =	sld [smem:$0x3FB2]  }
0x2a: {  	p0 =	seq.s32 s5, $0x0;
	s5 =	sld [smem:$0x3FB3]  }
0x2b: {  	s6 =	sld [smem:$0x3FB4]  }
0x2c: {  	s7 =	sld [smem:$0x3FB5]  }
0x2d: {  	s3 =	simm.s32 $0x108;
	s8 =	sld [smem:$0x3FB6]  }
0x2e: {  	s3 =	simm.s32 @!p0 $0x1082;
	s9 =	sld [smem:$0x3FB7]  }
0x2f: {  	lr =	sadd.s32 s0, s3;
	s0 =	sld [smem:$0x3FAE]  }
0x30: {  	s3 =	sld [smem:$0x3FB1]  }
0x31: {  	[smem:$0x3FBA] =	sst s10  }
0x32: {  	s10 =	sld [smem:$0x3FB8];
	_ =	sdelay $0x3  }
0x33: {  	p0 =	seq.s32 s10, $0x1;
	s10 =	sld [smem:$0x3FBA];
	_ =	sdelay $0x3  }
0x34: {  	[smem:$0x3FBA] =	sst s10  }
0x35: {  	s10 =	sld [smem:$0x3FB9];
	_ =	sdelay $0x3  }
0x36: {  	p1 =	seq.s32 s10, $0x1;
	s10 =	sld [smem:$0x3FBA];
	_ =	sdelay $0x3  }
0x37: {  	[smem:$0x3FBA] =	sst s10  }
0x38: {  	s10 =	sld [smem:$0x3FBB]  }
0x39: {  	_ = 	snop;
	(pc) =	sbr.ind lr, $3  }
0x3a: {  	_ = 	snop  }
0x3b: {  	_ = 	snop  }
0x3c: {  	p2 =	seq.s32 s10, $0x1;
	s10 =	sld [smem:$0x3FBA]  }
0x3d: {  	_ =	shalt  }
0x3e: {  	_ =	shalt  }
0x3f: {  	_ =	shalt  }
0x40: {  	_ =	shalt  }
0x41: {  	_ =	shalt  }
0x42: {  	_ =	shalt  }
0x43: {  	_ =	shalt  }
0x44: {  	_ =	shalt  }
0x45: {  	_ =	shalt  }
0x46: {  	_ =	shalt  }
0x47: {  	_ =	shalt  }
0x48: {  	_ =	shalt  }
0x49: {  	_ =	shalt  }
0x4a: {  	_ =	shalt  }
0x4b: {  	_ =	shalt  }
0x4c: {  	_ =	shalt  }
0x4d: {  	_ =	shalt  }
0x4e: {  	_ =	shalt  }
0x4f: {  	_ =	shalt  }
0x50: {  	_ =	shalt  }
0x51: {  	_ =	shalt  }
0x52: {  	_ =	shalt  }
0x53: {  	_ =	shalt  }
0x54: {  	_ =	shalt  }
0x55: {  	_ =	shalt  }
0x56: {  	_ =	shalt  }
0x57: {  	_ =	shalt  }
0x58: {  	_ =	shalt  }
0x59: {  	_ =	shalt  }
0x5a: {  	_ =	shalt  }
0x5b: {  	_ =	shalt  }
0x5c: {  	_ =	shalt  }
0x5d: {  	_ =	shalt  }
0x5e: {  	_ =	shalt  }
0x5f: {  	_ =	shalt  }
0x60: {  	_ =	shalt  }
0x61: {  	_ =	shalt  }
0x62: {  	_ =	shalt  }
0x63: {  	_ =	shalt  }
0x64: {  	_ =	shalt  }
0x65: {  	_ =	shalt  }
0x66: {  	_ =	shalt  }
0x67: {  	_ =	shalt  }
0x68: {  	_ =	shalt  }
0x69: {  	_ =	shalt  }
0x6a: {  	_ =	shalt  }
0x6b: {  	_ =	shalt  }
0x6c: {  	_ =	shalt  }
0x6d: {  	_ =	shalt  }
0x6e: {  	_ =	shalt  }
0x6f: {  	_ =	shalt  }
0x70: {  	_ =	shalt  }
0x71: {  	_ =	shalt  }
0x72: {  	_ =	shalt  }
0x73: {  	_ =	shalt  }
0x74: {  	_ =	shalt  }
0x75: {  	_ =	shalt  }
0x76: {  	_ =	shalt  }
0x77: {  	_ =	shalt  }
0x78: {  	_ =	shalt  }
0x79: {  	_ =	shalt  }
0x7a: {  	_ =	shalt  }
0x7b: {  	_ =	shalt  }
0x7c: {  	_ =	shalt  }
0x7d: {  	_ =	shalt  }
0x7e: {  	_ =	shalt  }
0x7f: {  	_ =	shalt  }
0x80: {  	_ =	shalt  }
0x81: {  	_ =	shalt  }
0x82: {  	_ =	shalt  }
0x83: {  	_ =	shalt  }
0x84: {  	_ =	shalt  }
0x85: {  	_ =	shalt  }
0x86: {  	_ =	shalt  }
0x87: {  	_ =	shalt  }
.Lfunc_end0:
.L_simem_size_0:
called_computation_lowered:
.L_overlay_start_0:
0x88: {  	s2 =	sld [smem:$0x3FD9]  }
0x89: {  	s3 =	sld [smem:$0x3FFE];
	_ =	sdelay $0x1  }
0x8a: {  	s1 =	srdreg.scid  }
0x8b: {  	s0 =	sand.u32 $0x1, s1  }
0x8c: {  	s17 =	sshll.u32 s0, $0xA;
	s2 =	sadd.s32 s3, s2  }
0x8d: {  	s2 =	sadd.s32 s2, s17  }
0x8e: {  	[smem:$0x3FC6] =	sst s2  }
0x8f: {  	_ = 	snop  }
0x90: {  	s2 =	sld [smem:$0x3FD0];
	(tm) =	ssettm $0x1  }
0x91: {  	s18 =	sld [smem:$0x3FFB];
	_ =	sdelay $0x3  }
0x92: {  	_ =	strace s18  }
0x93: {  	s3 =	sld [smem:$0x3FFC];
	_ =	sdelay $0x3  }
0x94: {  	_ =	strace s3  }
0x95: {  	s3 =	sld [smem:$0x3FFD];
	_ =	sdelay $0x3  }
0x96: {  	_ =	strace s3  }
0x97: {  	_ =	strace $0x8FFFFFFF  }
0x98: {  	s19 =	sld [smem:$0x3FDB];
	_ =	sdelay $0x1  }
0x99: {  	s4 =	simm.s32 $_scs_section_size  }
0x9a: {  	s5 =	simm.s32 $_size__tile_overlayer_lowered;
	s6 =	simm.s32 $_tile_overlayer_lowered  }
0x9b: {  	s22 =	simm.s32 $0x1BFF;
	s21 =	sshll.u32 s6, $0x1;
	s3 =	sadd.s32 s4, s19  }
0x9c: {  	s7 =	simm.s32 $0x0;
	s20 =	sshll.u32 s5, $0x1;
	s5 =	sadd.s32 s21, s3  }
0x9d: {  	[timem:s7], [sflag:s22] =	dma.local [hbm:s5], s20  }
0x9e: {  	_ =	swait.ge [sflag:s22], s20  }
0x9f: {  	s4 =	ssub.s32 $0x0, s20;
	[sflag:s22] =	ssyncset.done $0x0  }
0xa0: {  	[sflag:s22] =	ssyncadd.s32 s4;
	_ =	sdelay $0x1  }
0xa1: {  	s23 =	simm.s32 $0x1B8B  }
0xa2: {  	_ =	swait.ge [sflag:s23], $0x1  }
0xa3: {  	[sflag:s23] =	ssyncset.done $0x0  }
0xa4: {  	s25 =	simm.s32 $0x1B8E;
	s24 =	sld [smem:$0x3FFE];
	[sflag:s23] =	ssyncadd.s32 $0xFFFFFFFF  }
0xa5: {  	s26 =	simm.s32 $execute0_lowered;
	[smem:$0x3FD2] =	sst s25  }
0xa6: {  	s5 =	sshll.u32 s26, $0x1;
	_ =	strace $0x80000046;
	[dreg:$0x1] =	wrdreg $0xFFFFFFFF  }
0xa7: {  	s28 =	simm.s32 $_size_execute0_lowered;
	s3 =	sadd.s32 s3, s5;
	[dreg:$0x0] =	wrdreg $0x0  }
0xa8: {  	s5 =	sshll.u32 s28, $0x1;
	[dreg:$0x2] =	wrdreg s3  }
0xa9: {  	[dreg:$0x3] =	wrdreg s5  }
0xaa: {  	[dreg:$0x4] =	wrdreg $0xC0  }
0xab: {  	_ =	task [dreg:s7], $0x5FFFF  }
0xac: {  	[dreg:$0x1] =	wrdreg $0xFFFFFFFF  }
0xad: {  	[dreg:$0x0] =	wrdreg $0x60  }
0xae: {  	[dreg:$0x2] =	wrdreg s24  }
0xaf: {  	[dreg:$0x3] =	wrdreg s2  }
0xb0: {  	[dreg:$0x4] =	wrdreg $0x9  }
0xb1: {  	_ =	task.clear_ibuf [dreg:s7], $0x5FFFF;
	_ =	strace $0x90000046  }
0xb2: {  	s29 =	simm.s32 $0x9;
	_ =	strace $0x80000048  }
0xb3: {  	_ =	swait.ge [sflag:s29], $0x1  }
0xb4: {  	[sflag:s29] =	ssyncadd.s32 $0xFFFFFFFF  }
0xb5: {  	_ =	strace $0x90000048  }
0xb6: {  	_ =	sfence  }
0xb7: {  	s30 =	sld [smem:$0x0];
	_ =	sdelay $0x2  }
0xb8: {  	s31 =	sshll.u32 s1, $0xD;
	s1 =	sshrl.u32 s1, $0x2  }
0xb9: {  	s3 =	sand.u32 $0x4000, s31;
	s1 =	sadd.s32 s1, s30  }
0xba: {  	s0 =	sor.u32 s3, s0;
	s1 =	sshll.u32 s1, $0x11  }
0xbb: {  	s0 =	sor.u32 s1, s0  }
0xbc: {  	s0 =	sadd.s32 $0x8F2B, s0  }
0xbd: {  	[sflag:s0] =	ssyncadd.remote.s32 $0x1  }
0xbe: {  	_ =	sfence.sel $0xFFFF  }
0xbf: {  	[dreg:$0x0] =	wrdreg $0xFFFFFFFF;
	(pc) =	sbr.abs _section_cstart, $3  }
0xc0: {  	[dreg:$0x1] =	wrdreg $0xFFFFFFFF  }
0xc1: {  	_ =	task.clear_ibuf [dreg:s7], $0x2FFFF;
	_ =	strace $0x9FFFFFFF  }
0xc2: {  	(tm) =	ssettm $0x7FFFFFFF  }
0xc3: {  	_ =	shalt  }
tec
execute0_lowered:
.L_overlay_start_1:
0x0: {  	(tag) =	ssettag $0x1  }
0x1: {  	v0 =	vimm.s32 $0xB80  }
0x2: {  	vm14 =	vcmask $0x300;
	vm13 =	vcmask $0x704;
	vm12 =	vcmask $0xB08  }
0x3: {  	vm11 =	vcmask $0xF0C;
	vm10 =	vcmask $0x1310;
	vm9 =	vcmask $0x1714  }
0x4: {  	vm8 =	vcmask $0x1B18;
	vm7 =	vcmask $0x1F1C;
	vm6 =	vcmask $0x2320  }
0x5: {  	vm5 =	vcmask $0x2724;
	vm4 =	vcmask $0x2B28;
	vm3 =	vcmask $0x2F2C  }
0x6: {  	vm2 =	vcmask $0x3330;
	vm1 =	vcmask $0x3734;
	vm0 =	vcmask $0x3B38  }
0x7: {  	v1 =	vimm.s32 $0x1B80;
	v2 =	vimm.s32 $0x2B80;
	v3 =	vimm.s32 $0x3B80  }
0x8: {  	v0 =	vsel vm14, $0x0, v0;
	v1 =	vsel vm14, $0x1000, v1;
	v2 =	vsel vm14, $0x2000, v2  }
0x9: {  	v3 =	vsel vm14, $0x3000, v3;
	v0 =	vsel vm13, $0x80, v0;
	v1 =	vsel vm13, $0x1080, v1  }
0xa: {  	v2 =	vsel vm13, $0x2080, v2;
	v3 =	vsel vm13, $0x3080, v3;
	v0 =	vsel vm12, $0x100, v0  }
0xb: {  	v1 =	vsel vm12, $0x1100, v1;
	v2 =	vsel vm12, $0x2100, v2;
	v3 =	vsel vm12, $0x3100, v3  }
0xc: {  	v0 =	vsel vm11, $0x180, v0;
	v1 =	vsel vm11, $0x1180, v1;
	v2 =	vsel vm11, $0x2180, v2  }
0xd: {  	v3 =	vsel vm11, $0x3180, v3;
	v0 =	vsel vm10, $0x200, v0;
	v1 =	vsel vm10, $0x1200, v1  }
0xe: {  	v2 =	vsel vm10, $0x2200, v2;
	v3 =	vsel vm10, $0x3200, v3;
	v0 =	vsel vm9, $0x280, v0  }
0xf: {  	v1 =	vsel vm9, $0x1280, v1;
	v2 =	vsel vm9, $0x2280, v2;
	v3 =	vsel vm9, $0x3280, v3  }
0x10: {  	s0 =	rddreg [dreg:$0x0];
	s1 =	srdreg.scid;
	v0 =	vsel vm8, $0x300, v0;
	v1 =	vsel vm8, $0x1300, v1;
	v2 =	vsel vm8, $0x2300, v2  }
0x11: {  	s3 =	stileid.u32;
	s2 =	rddreg [dreg:$0x1];
	s16 =	simm.s32 $0x80;
	v3 =	vsel vm8, $0x3300, v3;
	v0 =	vsel vm7, $0x380, v0;
	v1 =	vsel vm7, $0x1380, v1  }
0x12: {  	s19 =	simm.s32 $0x1;
	s20 =	simm.s32 $0xE400;
	s29 =	simm.s32 $0x2;
	v2 =	vsel vm7, $0x2380, v2;
	v3 =	vsel vm7, $0x3380, v3;
	v0 =	vsel vm6, $0x800, v0  }
0x13: {  	s30 =	simm.s32 $0x4;
	s31 =	simm.s32 $0x12400;
	s1 =	sand.u32 $0x1, s1;
	v1 =	vsel vm6, $0x1800, v1;
	v2 =	vsel vm6, $0x2800, v2;
	v3 =	vsel vm6, $0x3800, v3  }
0x14: {  	s4 =	sshll.u32 s3, $0x1;
	s3 =	simm.s32 $0x0;
	s7 =	sadd.s32 $0x1000, s2;
	v0 =	vsel vm5, $0x880, v0;
	v1 =	vsel vm5, $0x1880, v1;
	v2 =	vsel vm5, $0x2880, v2  }
0x15: {  	s8 =	sadd.s32 $0x2000, s2;
	s9 =	sadd.s32 $0x3000, s2;
	s5 =	sor.u32 s1, s4;
	v3 =	vsel vm5, $0x3880, v3;
	v0 =	vsel vm4, $0x900, v0;
	v1 =	vsel vm4, $0x1900, v1  }
0x16: {  	s10 =	sadd.s32 $0x4000, s2;
	s11 =	sadd.s32 $0x5000, s2;
	s4 =	smul.u32 $0xC80, s5;
	v2 =	vsel vm4, $0x2900, v2;
	v3 =	vsel vm4, $0x3900, v3;
	v0 =	vsel vm3, $0x980, v0  }
0x17: {  	s12 =	sadd.s32 $0x6000, s2;
	s13 =	sadd.s32 $0x7000, s2;
	s1 =	ssub.s32 $0x2, s1;
	v1 =	vsel vm3, $0x1980, v1;
	v2 =	vsel vm3, $0x2980, v2;
	v3 =	vsel vm3, $0x3980, v3  }
0x18: {  	[smem:$0x7FF] =	sst s3;
	s26 =	sshrl.u32 s1, $0x1;
	s6 =	sadd.s32 s4, s0;
	v0 =	vsel vm2, $0xA00, v0;
	v1 =	vsel vm2, $0x1A00, v1;
	v2 =	vsel vm2, $0x2A00, v2  }
0x19: {  	s4 =	sadd.s32 $0x19400, s0;
	s0 =	ssub.s32 s1, s26;
	s28 =	sadd.s32 $0x400, s6;
	v3 =	vsel vm2, $0x3A00, v3;
	v0 =	vsel vm1, $0xA80, v0;
	v1 =	vsel vm1, $0x1A80, v1  }
0x1a: {  	_ =	strace $0x80000047;
	s0 =	smax.u32 s0, $0x1;
	[dreg:$0x3] =	wrdreg s28;
	v2 =	vsel vm1, $0x2A80, v2;
	v3 =	vsel vm1, $0x3A80, v3;
	v0 =	vsel vm0, $0xB00, v0  }
0x1b: {  	s5 =	smul.u32 $0xC8, s5;
	s1 =	simm.s32 $0x0;
	[dreg:$0x4] =	wrdreg s0;
	v1 =	vsel vm0, $0x1B00, v1;
	v2 =	vsel vm0, $0x2B00, v2;
	v3 =	vsel vm0, $0x3B00, v3  }
.LBB2_1:
0x1c: {  	[dreg:$0x5] =	wrdreg s1  }
0x1d: {  	s0 =	rddreg [dreg:$0x3];
	s26 =	simm.s32 $0x5  }
0x1e: {  	[tilespmem:s3], [sflag:$0x5] =	stream.linear.gather [hbm4b:s0+s3], $0x6400, $0x38;
	[tilespmem:$0x16400] =	vst v63  }
0x1f: {  	_ =	swait.ge [sflag:s26], $0x6400  }
0x20: {  	[sflag:s26] =	ssyncset.done $0x0  }
0x21: {  	s28 =	simm.s32 $0x6400;
	s21 =	simm.s32 $0x0;
	[sflag:s26] =	ssyncadd.s32 $0xFFFF9C00  }
0x22: {  	[tilespmem:s28], [sflag:$0x1] =	stream.indirect.gather [hbm4b:s4+s16], $0x80, s3, s16, $0xb8;
	[tilespmem:$0x16400] =	vst v63  }
.LBB2_2:
0x23: {  	s22 =	sshllo.u32 s21, $0x1  }
0x24: {  	s0 =	sshll.u32 s22, $0x7  }
0x25: {  	s1 =	simm.s32 $0xA400;
	s0 =	sand.u32 $0x3FFFFF80, s0  }
0x26: {  	[tilespmem:s1], [sflag:$0x2] =	stream.indirect.gather [hbm4b:s4+s16], $0x80, s0, s16, $0xb8;
	[tilespmem:$0x16400] =	vst v63  }
0x27: {  	_ =	swait.ge [sflag:s19], $0x4000  }
0x28: {  	p0 =	seq.s32 s21, $0x0;
	[sflag:s19] =	ssyncset.done $0x0  }
0x29: {  	s0 =	simm.s32 @!p0 $0x3;
	[sflag:s19] =	ssyncadd.s32 $0xFFFFC000  }
0x2a: {  	_ =	swait.ge @!p0 [sflag:s0], $0x2000  }
0x2b: {  	[sflag:s0] =	ssyncset.done @!p0 $0x0  }
0x2c: {  	s25 =	simm.s32 $0x6600;
	s24 =	simm.s32 $0x7;
	[sflag:s0] =	ssyncadd.s32 @!p0 $0xFFFFE000  }
0x2d: {  	s17 =	simm.s32 $0x1;
	v5 =	vor.u32 s24, v0;
	v4 =	vld [tilespmem:s25+$0x180]  }
0x2e: {  	s23 =	simm.s32 $0x2;
	v7 =	vor.u32 s17, v0;
	v6 =	vld [tilespmem:s25+$0xFFFFFE80]  }
0x2f: {  	s6 =	simm.s32 $0x3;
	v9 =	vor.u32 s23, v0;
	v8 =	vld [tilespmem:s25+$0xFFFFFF00]  }
0x30: {  	s26 =	simm.s32 $0x4;
	v11 =	vor.u32 s6, v0;
	v10 =	vld [tilespmem:s25+$0xFFFFFF80]  }
0x31: {  	s14 =	simm.s32 $0x5;
	v13 =	vor.u32 s26, v0;
	v12 =	vld [tilespmem:s25+$0x0]  }
0x32: {  	s18 =	simm.s32 $0x6;
	v15 =	vor.u32 s14, v0;
	v14 =	vld [tilespmem:s25+$0x80];
	[tilespmem:v5+s20+$0x0] =	vst.idx.msk $0xffff, v4  }
0x33: {  	[tilespmem:v7+s20+$0x0] =	vst.idx.msk $0xffff, v6;
	v6 =	vld [tilespmem:s25+$0x100];
	v7 =	vor.u32 s18, v0  }
0x34: {  	s15 =	simm.s32 $0x0;
	v5 =	vor.u32 s24, v1;
	[tilespmem:v9+s20+$0x0] =	vst.idx.msk $0xffff, v8;
	v4 =	vld [tilespmem:s25+$0x190]  }
0x35: {  	v8 =	vld [tilespmem:s25+$0xFFFFFE00];
	v9 =	vor.u32 s15, v0;
	[tilespmem:v11+s20+$0x0] =	vst.idx.msk $0xffff, v10  }
0x36: {  	v11 =	vor.u32 s17, v1;
	[tilespmem:v13+s20+$0x0] =	vst.idx.msk $0xffff, v12;
	v10 =	vld [tilespmem:s25+$0xFFFFFE90]  }
0x37: {  	v13 =	vor.u32 s23, v1;
	[tilespmem:v15+s20+$0x0] =	vst.idx.msk $0xffff, v14;
	v12 =	vld [tilespmem:s25+$0xFFFFFF10]  }
0x38: {  	v15 =	vor.u32 s6, v1;
	v14 =	vld [tilespmem:s25+$0xFFFFFF90];
	[tilespmem:v7+s20+$0x0] =	vst.idx.msk $0xffff, v6  }
0x39: {  	v6 =	vld [tilespmem:s25+$0x10];
	v7 =	vor.u32 s26, v1;
	[tilespmem:v5+s20+$0x0] =	vst.idx.msk $0xffff, v4  }
0x3a: {  	[tilespmem:v9+s20+$0x0] =	vst.idx.msk $0xffff, v8;
	v5 =	vor.u32 s24, v2;
	v4 =	vld [tilespmem:s25+$0x1A0]  }
0x3b: {  	v8 =	vld [tilespmem:s25+$0x90];
	v9 =	vor.u32 s14, v1;
	[tilespmem:v11+s20+$0x0] =	vst.idx.msk $0xffff, v10  }
0x3c: {  	[tilespmem:v13+s20+$0x0] =	vst.idx.msk $0xffff, v12;
	v10 =	vld [tilespmem:s25+$0x110];
	v11 =	vor.u32 s18, v1  }
0x3d: {  	v12 =	vld [tilespmem:s25+$0xFFFFFE10];
	v13 =	vor.u32 s15, v1;
	[tilespmem:v15+s20+$0x0] =	vst.idx.msk $0xffff, v14  }
0x3e: {  	v15 =	vor.u32 s17, v2;
	v14 =	vld [tilespmem:s25+$0xFFFFFEA0];
	[tilespmem:v7+s20+$0x0] =	vst.idx.msk $0xffff, v6  }
0x3f: {  	v6 =	vld [tilespmem:s25+$0xFFFFFF20];
	v7 =	vor.u32 s23, v2;
	[tilespmem:v5+s20+$0x0] =	vst.idx.msk $0xffff, v4  }
0x40: {  	[tilespmem:v9+s20+$0x0] =	vst.idx.msk $0xffff, v8;
	v5 =	vor.u32 s24, v3;
	v4 =	vld [tilespmem:s25+$0x1B0]  }
0x41: {  	v8 =	vld [tilespmem:s25+$0xFFFFFFA0];
	v9 =	vor.u32 s6, v2;
	[tilespmem:v11+s20+$0x0] =	vst.idx.msk $0xffff, v10  }
0x42: {  	[tilespmem:v13+s20+$0x0] =	vst.idx.msk $0xffff, v12;
	v10 =	vld [tilespmem:s25+$0x20];
	v11 =	vor.u32 s26, v2  }
0x43: {  	v12 =	vld [tilespmem:s25+$0xA0];
	v13 =	vor.u32 s14, v2;
	[tilespmem:v15+s20+$0x0] =	vst.idx.msk $0xffff, v14  }
0x44: {  	v14 =	vld [tilespmem:s25+$0x120];
	v15 =	vor.u32 s18, v2;
	[tilespmem:v7+s20+$0x0] =	vst.idx.msk $0xffff, v6  }
0x45: {  	v16 =	vor.u32 s15, v2;
	[tilespmem:v5+s20+$0x0] =	vst.idx.msk $0xffff, v4;
	v4 =	vld [tilespmem:s25+$0xFFFFFE20]  }
0x46: {  	v6 =	vld [tilespmem:s25+$0xFFFFFEB0];
	v7 =	vor.u32 s17, v3;
	[tilespmem:v9+s20+$0x0] =	vst.idx.msk $0xffff, v8  }
0x47: {  	v18 =	vor.u32 s23, v3;
	v17 =	vld [tilespmem:s25+$0xFFFFFF30];
	[tilespmem:v11+s20+$0x0] =	vst.idx.msk $0xffff, v10  }
0x48: {  	v10 =	vld [tilespmem:s25+$0xFFFFFFB0];
	[tilespmem:v13+s20+$0x0] =	vst.idx.msk $0xffff, v12;
	v13 =	vor.u32 s6, v3  }
0x49: {  	v12 =	vor.u32 s26, v3;
	[tilespmem:v15+s20+$0x0] =	vst.idx.msk $0xffff, v14;
	v5 =	vld [tilespmem:s25+$0x30]  }
0x4a: {  	v11 =	vor.u32 s14, v3;
	[tilespmem:v16+s20+$0x0] =	vst.idx.msk $0xffff, v4;
	v4 =	vld [tilespmem:s25+$0xB0]  }
0x4b: {  	s28 =	simm.s32 $0x10;
	s23 =	sshll.u32 s21, $0x1;
	v8 =	vor.u32 s18, v3;
	[tilespmem:v7+s20+$0x0] =	vst.idx.msk $0xffff, v6;
	v6 =	vld [tilespmem:s25+$0x130]  }
0x4c: {  	s24 =	simm.s32 $0x8;
	v9 =	vor.u32 s15, v3;
	s26 =	simm.s32 $0xF;
	[tilespmem:v18+s20+$0x0] =	vst.idx.msk $0xffff, v17;
	v7 =	vld [tilespmem:s25+$0xFFFFFE30];
	s25 =	simm.s32 $0x6A00  }
.LBB2_3:
0x4d: {  	p1 =	slt.u32 s28, $0x78;
	s0 =	sadd.s32 $0x1, s24;
	v14 =	vld [tilespmem:s25+$0x180];
	v15 =	vor.u32 s26, v0;
	[tilespmem:v13+s20+$0x0] =	vst.idx.msk $0xffff, v10;
	s1 =	smov.u32 s24  }
0x4e: {  	s24 =	smov.u32 s28;
	v10 =	vld [tilespmem:s25+$0xFFFFFE80];
	v13 =	vor.u32 s0, v0;
	s6 =	sadd.s32 $0x2, s1;
	[tilespmem:v12+s20+$0x0] =	vst.idx.msk $0xffff, v5  }
0x4f: {  	s14 =	sadd.s32 $0x3, s1;
	v5 =	vld [tilespmem:s25+$0xFFFFFF00];
	v12 =	vor.u32 s6, v0;
	[tilespmem:v11+s20+$0x0] =	vst.idx.msk $0xffff, v4  }
0x50: {  	s15 =	sadd.s32 $0x4, s1;
	v11 =	vor.u32 s14, v0;
	v4 =	vld [tilespmem:s25+$0xFFFFFF80];
	[tilespmem:v8+s20+$0x0] =	vst.idx.msk $0xffff, v6  }
0x51: {  	s17 =	sadd.s32 $0x5, s1;
	v8 =	vor.u32 s15, v0;
	v6 =	vld [tilespmem:s25+$0x0];
	[tilespmem:v9+s20+$0x0] =	vst.idx.msk $0xffff, v7  }
0x52: {  	v9 =	vor.u32 s17, v0;
	v7 =	vld [tilespmem:s25+$0x80];
	[tilespmem:v15+s20+$0x0] =	vst.idx.msk $0xffff, v14  }
0x53: {  	s18 =	sadd.s32 $0x6, s1;
	[tilespmem:v13+s20+$0x0] =	vst.idx.msk $0xffff, v10;
	v10 =	vld [tilespmem:s25+$0x190];
	v13 =	vor.u32 s26, v1  }
0x54: {  	[tilespmem:v12+s20+$0x0] =	vst.idx.msk $0xffff, v5;
	v5 =	vld [tilespmem:s25+$0x100];
	v12 =	vor.u32 s18, v0  }
0x55: {  	v15 =	vor.u32 s1, v0;
	v14 =	vld [tilespmem:s25+$0xFFFFFE00];
	[tilespmem:v11+s20+$0x0] =	vst.idx.msk $0xffff, v4  }
0x56: {  	v11 =	vor.u32 s0, v1;
	v4 =	vld [tilespmem:s25+$0xFFFFFE90];
	[tilespmem:v8+s20+$0x0] =	vst.idx.msk $0xffff, v6  }
0x57: {  	v8 =	vor.u32 s6, v1;
	v6 =	vld [tilespmem:s25+$0xFFFFFF10];
	[tilespmem:v9+s20+$0x0] =	vst.idx.msk $0xffff, v7  }
0x58: {  	v9 =	vor.u32 s14, v1;
	v7 =	vld [tilespmem:s25+$0xFFFFFF90];
	[tilespmem:v13+s20+$0x0] =	vst.idx.msk $0xffff, v10  }
0x59: {  	v10 =	vor.u32 s26, v2;
	[tilespmem:v12+s20+$0x0] =	vst.idx.msk $0xffff, v5;
	v5 =	vld [tilespmem:s25+$0x1A0]  }
0x5a: {  	v13 =	vor.u32 s15, v1;
	[tilespmem:v15+s20+$0x0] =	vst.idx.msk $0xffff, v14;
	v12 =	vld [tilespmem:s25+$0x10]  }
0x5b: {  	[tilespmem:v11+s20+$0x0] =	vst.idx.msk $0xffff, v4;
	v4 =	vld [tilespmem:s25+$0x90];
	v11 =	vor.u32 s17, v1  }
0x5c: {  	[tilespmem:v8+s20+$0x0] =	vst.idx.msk $0xffff, v6;
	v6 =	vld [tilespmem:s25+$0x110];
	v8 =	vor.u32 s18, v1  }
0x5d: {  	v15 =	vor.u32 s1, v1;
	v14 =	vld [tilespmem:s25+$0xFFFFFE10];
	[tilespmem:v9+s20+$0x0] =	vst.idx.msk $0xffff, v7  }
0x5e: {  	v9 =	vor.u32 s0, v2;
	v7 =	vld [tilespmem:s25+$0xFFFFFEA0];
	[tilespmem:v10+s20+$0x0] =	vst.idx.msk $0xffff, v5  }
0x5f: {  	v10 =	vor.u32 s26, v3;
	[tilespmem:v13+s20+$0x0] =	vst.idx.msk $0xffff, v12;
	v5 =	vld [tilespmem:s25+$0x1B0]  }
0x60: {  	v13 =	vor.u32 s6, v2;
	v12 =	vld [tilespmem:s25+$0xFFFFFF20];
	[tilespmem:v11+s20+$0x0] =	vst.idx.msk $0xffff, v4  }
0x61: {  	v11 =	vor.u32 s14, v2;
	v4 =	vld [tilespmem:s25+$0xFFFFFFA0];
	[tilespmem:v8+s20+$0x0] =	vst.idx.msk $0xffff, v6  }
0x62: {  	v8 =	vor.u32 s15, v2;
	[tilespmem:v15+s20+$0x0] =	vst.idx.msk $0xffff, v14;
	v6 =	vld [tilespmem:s25+$0x20]  }
0x63: {  	[tilespmem:v9+s20+$0x0] =	vst.idx.msk $0xffff, v7;
	v7 =	vld [tilespmem:s25+$0xA0];
	v9 =	vor.u32 s17, v2  }
0x64: {  	v15 =	vor.u32 s18, v2;
	v14 =	vld [tilespmem:s25+$0x120];
	[tilespmem:v10+s20+$0x0] =	vst.idx.msk $0xffff, v5  }
0x65: {  	v17 =	vor.u32 s1, v2;
	v16 =	vld [tilespmem:s25+$0xFFFFFE20];
	[tilespmem:v13+s20+$0x0] =	vst.idx.msk $0xffff, v12  }
0x66: {  	v19 =	vor.u32 s0, v3;
	v18 =	vld [tilespmem:s25+$0xFFFFFEB0];
	[tilespmem:v11+s20+$0x0] =	vst.idx.msk $0xffff, v4  }
0x67: {  	v21 =	vor.u32 s6, v3;
	v20 =	vld [tilespmem:s25+$0xFFFFFF30];
	[tilespmem:v8+s20+$0x0] =	vst.idx.msk $0xffff, v6  }
.Ltmp0:
0x68: {  	v13 =	vor.u32 s14, v3;
	v10 =	vld [tilespmem:s25+$0xFFFFFFB0];
	[tilespmem:v9+s20+$0x0] =	vst.idx.msk $0xffff, v7;
	(pc) =	sbr.rel @p1 .LBB2_3-.Ltmp0, $4  }
0x69: {  	v12 =	vor.u32 s15, v3;
	v5 =	vld [tilespmem:s25+$0x30];
	[tilespmem:v15+s20+$0x0] =	vst.idx.msk $0xffff, v14  }
0x6a: {  	v11 =	vor.u32 s17, v3;
	[tilespmem:v17+s20+$0x0] =	vst.idx.msk $0xffff, v16;
	v4 =	vld [tilespmem:s25+$0xB0]  }
0x6b: {  	v8 =	vor.u32 s18, v3;
	[tilespmem:v19+s20+$0x0] =	vst.idx.msk $0xffff, v18;
	v6 =	vld [tilespmem:s25+$0x130]  }
0x6c: {  	s28 =	sadd.s32 $0x8, s28;
	s26 =	sadd.s32 $0x7, s24;
	v9 =	vor.u32 s1, v3;
	v7 =	vld [tilespmem:s25+$0xFFFFFE30];
	[tilespmem:v21+s20+$0x0] =	vst.idx.msk $0xffff, v20;
	s25 =	sadd.s32 $0x400, s25  }
0x6d: {  	_ =	sdelay $0x3  }
0x6e: {  	v14 =	vld [tilespmem:s25+$0x180];
	v15 =	vor.u32 s26, v0;
	[tilespmem:v13+s20+$0x0] =	vst.idx.msk $0xffff, v10  }
0x6f: {  	s0 =	sadd.s32 $0x1, s24;
	v26 =	vld [tilespmem:s25+$0xFFFFFE00];
	v27 =	vor.u32 s24, v0;
	[tilespmem:v12+s20+$0x0] =	vst.idx.msk $0xffff, v5  }
0x70: {  	v63 =	vld [tilespmem:s25+$0xFFFFFE80];
	s1 =	sadd.s32 $0x2, s24;
	v16 =	vor.u32 s0, v0;
	[tilespmem:v11+s20+$0x0] =	vst.idx.msk $0xffff, v4  }
0x71: {  	s14 =	sadd.s32 $0x4, s24;
	v5 =	vld [tilespmem:s25+$0xFFFFFF00];
	v17 =	vor.u32 s1, v0;
	[tilespmem:v8+s20+$0x0] =	vst.idx.msk $0xffff, v6  }
0x72: {  	s6 =	sadd.s32 $0x3, s24;
	v19 =	vld [tilespmem:s25+$0x0];
	v20 =	vor.u32 s14, v0;
	[tilespmem:v9+s20+$0x0] =	vst.idx.msk $0xffff, v7  }
0x73: {  	s15 =	sadd.s32 $0x5, s24;
	v18 =	vor.u32 s6, v0;
	v4 =	vld [tilespmem:s25+$0xFFFFFF80];
	[tilespmem:v15+s20+$0x0] =	vst.idx.msk $0xffff, v14  }
0x74: {  	v21 =	vld [tilespmem:s25+$0x80];
	v22 =	vor.u32 s15, v0;
	[tilespmem:v27+s20+$0x0] =	vst.idx.msk $0xffff, v26  }
0x75: {  	s17 =	sadd.s32 $0x6, s24;
	v24 =	vor.u32 s26, v1;
	[tilespmem:v16+s20+$0x0] =	vst.idx.msk $0xffff, v63;
	v23 =	vld [tilespmem:s25+$0x190]  }
0x76: {  	v25 =	vor.u32 s17, v0;
	[tilespmem:v17+s20+$0x0] =	vst.idx.msk $0xffff, v5;
	v5 =	vld [tilespmem:s25+$0x100]  }
0x77: {  	v39 =	vor.u32 s24, v1;
	[tilespmem:v20+s20+$0x0] =	vst.idx.msk $0xffff, v19;
	v14 =	vld [tilespmem:s25+$0xFFFFFE10]  }
0x78: {  	v28 =	vor.u32 s0, v1;
	[tilespmem:v18+s20+$0x0] =	vst.idx.msk $0xffff, v4;
	v4 =	vld [tilespmem:s25+$0xFFFFFE90]  }
0x79: {  	v30 =	vor.u32 s1, v1;
	[tilespmem:v22+s20+$0x0] =	vst.idx.msk $0xffff, v21;
	v29 =	vld [tilespmem:s25+$0xFFFFFF10]  }
0x7a: {  	v35 =	vor.u32 s14, v1;
	v34 =	vld [tilespmem:s25+$0x10];
	[tilespmem:v24+s20+$0x0] =	vst.idx.msk $0xffff, v23  }
0x7b: {  	v32 =	vor.u32 s6, v1;
	v31 =	vld [tilespmem:s25+$0xFFFFFF90];
	[tilespmem:v25+s20+$0x0] =	vst.idx.msk $0xffff, v5  }
0x7c: {  	v33 =	vor.u32 s26, v2;
	[tilespmem:v39+s20+$0x0] =	vst.idx.msk $0xffff, v14;
	v5 =	vld [tilespmem:s25+$0x1A0]  }
0x7d: {  	v36 =	vor.u32 s15, v1;
	[tilespmem:v28+s20+$0x0] =	vst.idx.msk $0xffff, v4;
	v4 =	vld [tilespmem:s25+$0x90]  }
0x7e: {  	v38 =	vor.u32 s17, v1;
	[tilespmem:v30+s20+$0x0] =	vst.idx.msk $0xffff, v29;
	v37 =	vld [tilespmem:s25+$0x110]  }
0x7f: {  	v41 =	vor.u32 s0, v2;
	[tilespmem:v35+s20+$0x0] =	vst.idx.msk $0xffff, v34;
	v40 =	vld [tilespmem:s25+$0xFFFFFEA0]  }
0x80: {  	v43 =	vor.u32 s1, v2;
	[tilespmem:v32+s20+$0x0] =	vst.idx.msk $0xffff, v31;
	v42 =	vld [tilespmem:s25+$0xFFFFFF20]  }
0x81: {  	v46 =	vor.u32 s14, v2;
	v45 =	vld [tilespmem:s25+$0x20];
	[tilespmem:v33+s20+$0x0] =	vst.idx.msk $0xffff, v5  }
0x82: {  	v5 =	vor.u32 s26, v3;
	[tilespmem:v36+s20+$0x0] =	vst.idx.msk $0xffff, v4;
	v10 =	vld [tilespmem:s25+$0x1B0]  }
0x83: {  	v44 =	vor.u32 s6, v2;
	v4 =	vld [tilespmem:s25+$0xFFFFFFA0];
	[tilespmem:v38+s20+$0x0] =	vst.idx.msk $0xffff, v37  }
0x84: {  	v48 =	vor.u32 s15, v2;
	[tilespmem:v41+s20+$0x0] =	vst.idx.msk $0xffff, v40;
	v47 =	vld [tilespmem:s25+$0xA0]  }
0x85: {  	v50 =	vor.u32 s17, v2;
	v49 =	vld [tilespmem:s25+$0x120];
	[tilespmem:v43+s20+$0x0] =	vst.idx.msk $0xffff, v42  }
0x86: {  	v52 =	vor.u32 s0, v3;
	[tilespmem:v46+s20+$0x0] =	vst.idx.msk $0xffff, v45;
	v53 =	vld [tilespmem:s25+$0xFFFFFEB0]  }
0x87: {  	v51 =	vor.u32 s24, v2;
	[tilespmem:v5+s20+$0x0] =	vst.idx.msk $0xffff, v10;
	v5 =	vld [tilespmem:s25+$0xFFFFFE20]  }
0x88: {  	v57 =	vor.u32 s14, v3;
	v58 =	vld [tilespmem:s25+$0x30];
	[tilespmem:v44+s20+$0x0] =	vst.idx.msk $0xffff, v4  }
0x89: {  	v54 =	vld [tilespmem:s25+$0xFFFFFF30];
	v4 =	vor.u32 s1, v3;
	[tilespmem:v48+s20+$0x0] =	vst.idx.msk $0xffff, v47  }
0x8a: {  	v55 =	vor.u32 s6, v3;
	v56 =	vld [tilespmem:s25+$0xFFFFFFB0];
	[tilespmem:v50+s20+$0x0] =	vst.idx.msk $0xffff, v49  }
0x8b: {  	v60 =	vor.u32 s17, v3;
	[tilespmem:v52+s20+$0x0] =	vst.idx.msk $0xffff, v53;
	v61 =	vld [tilespmem:s25+$0x130]  }
0x8c: {  	v59 =	vor.u32 s15, v3;
	[tilespmem:v51+s20+$0x0] =	vst.idx.msk $0xffff, v5;
	v5 =	vld [tilespmem:s25+$0xB0]  }
0x8d: {  	v63 =	vor.u32 s24, v3;
	[tilespmem:v57+s20+$0x0] =	vst.idx.msk $0xffff, v58;
	v62 =	vld [tilespmem:s25+$0xFFFFFE30]  }
0x8e: {  	s18 =	sadd.s32 s5, s23;
	[tilespmem:v4+s20+$0x0] =	vst.idx.msk $0xffff, v54  }
0x8f: {  	s23 =	sshll.u32 s18, $0xA;
	s0 =	sshll.u32 s18, $0x7;
	[tilespmem:v55+s20+$0x0] =	vst.idx.msk $0xffff, v56  }
0x90: {  	s0 =	sand.u32 $0xF00, s0;
	s1 =	sand.u32 $0x7FFF8000, s23;
	[tilespmem:v60+s20+$0x0] =	vst.idx.msk $0xffff, v61  }
0x91: {  	s0 =	sor.u32 s0, s1;
	[tilespmem:v59+s20+$0x0] =	vst.idx.msk $0xffff, v5  }
0x92: {  	s1 =	sadd.s32 s2, s0;
	s0 =	sand.u32 $0x1FFF8F00, s0;
	[tilespmem:v63+s20+$0x0] =	vst.idx.msk $0xffff, v62  }
0x93: {  	[hbm4b:s1+s3] =	stream.linear.scatter [tilespmem:s20], [sflag:$0x3], $0x400, $0x38;
	[tilespmem:$0x16400] =	vst v63  }
0x94: {  	s24 =	sadd.s32 s0, s7;
	s25 =	simm.s32 $0xEC00  }
0x95: {  	[hbm4b:s24+s3] =	stream.linear.scatter [tilespmem:s25], [sflag:$0x3], $0x400, $0x38;
	[tilespmem:$0x16400] =	vst v63  }
0x96: {  	s28 =	simm.s32 $0xF400;
	s26 =	sadd.s32 s0, s8  }
0x97: {  	[hbm4b:s26+s3] =	stream.linear.scatter [tilespmem:s28], [sflag:$0x3], $0x400, $0x38;
	[tilespmem:$0x16400] =	vst v63  }
0x98: {  	s15 =	simm.s32 $0xFC00;
	s14 =	sadd.s32 s0, s9  }
0x99: {  	[hbm4b:s14+s3] =	stream.linear.scatter [tilespmem:s15], [sflag:$0x3], $0x400, $0x38;
	[tilespmem:$0x16400] =	vst v63  }
0x9a: {  	s18 =	simm.s32 $0x10400;
	s17 =	sadd.s32 s0, s10  }
0x9b: {  	[hbm4b:s17+s3] =	stream.linear.scatter [tilespmem:s18], [sflag:$0x3], $0x400, $0x38;
	[tilespmem:$0x16400] =	vst v63  }
0x9c: {  	p1 =	sne.s32 s21, $0x63;
	s23 =	sadd.s32 s0, s11;
	s24 =	simm.s32 $0x10C00  }
0x9d: {  	[hbm4b:s23+s3] =	stream.linear.scatter [tilespmem:s24], [sflag:$0x3], $0x400, $0x38;
	[tilespmem:$0x16400] =	vst v63  }
.Ltmp1:
0x9e: {  	_ = 	snop;
	(pc) =	sbr.rel @p1 .LBB2_6-.Ltmp1, $4  }
0x9f: {  	s25 =	sadd.s32 s0, s12;
	s26 =	simm.s32 $0x11400  }
0xa0: {  	[hbm4b:s25+s3] =	stream.linear.scatter [tilespmem:s26], [sflag:$0x3], $0x400, $0x38;
	[tilespmem:$0x16400] =	vst v63  }
0xa1: {  	s0 =	sadd.s32 s0, s13;
	s28 =	simm.s32 $0x11C00  }
0xa2: {  	[hbm4b:s0+s3] =	stream.linear.scatter [tilespmem:s28], [sflag:$0x3], $0x400, $0x38;
	[tilespmem:$0x16400] =	vst v63  }
.Ltmp2:
0xa3: {  	(pc) =	sbr.rel .LBB2_7-.Ltmp2, $4  }
0xa4: {  	_ = 	snop  }
0xa5: {  	_ =	swait.ge [sflag:s29], $0x4000  }
0xa6: {  	[sflag:s29] =	ssyncset.done $0x0  }
0xa7: {  	[sflag:s29] =	ssyncadd.s32 $0xFFFFC000  }
.LBB2_6:
0xa8: {  	s0 =	sshll.u32 s21, $0x8  }
0xa9: {  	s0 =	sand.u32 $0x3FFFFF00, s0  }
.Ltmp3:
0xaa: {  	s1 =	simm.s32 $0x6400;
	s0 =	sadd.s32 $0x100, s0;
	(pc) =	sbr.rel @p0 .LBB2_8-.Ltmp3, $4  }
0xab: {  	[tilespmem:s1], [sflag:$0x1] =	stream.indirect.gather [hbm4b:s4+s16], $0x80, s0, s16, $0xb8;
	[tilespmem:$0x16400] =	vst v63  }
0xac: {  	_ =	swait.ge [sflag:s29], $0x4000  }
0xad: {  	[sflag:s29] =	ssyncset.done $0x0  }
0xae: {  	[sflag:s29] =	ssyncadd.s32 $0xFFFFC000  }
.LBB2_7:
0xaf: {  	_ =	swait.ge [sflag:s30], $0x2000  }
0xb0: {  	[sflag:s30] =	ssyncset.done $0x0  }
0xb1: {  	[sflag:s30] =	ssyncadd.s32 $0xFFFFE000  }
.LBB2_8:
0xb2: {  	s0 =	simm.s32 $0xA7B0;
	s24 =	simm.s32 $0x7  }
0xb3: {  	s17 =	simm.s32 $0x1;
	v4 =	vld [tilespmem:s0+$0xFFFFFFD0];
	v5 =	vor.u32 s24, v0  }
0xb4: {  	s23 =	simm.s32 $0x2;
	v6 =	vld [tilespmem:s0+$0xFFFFFCD0];
	v7 =	vor.u32 s17, v0  }
0xb5: {  	s6 =	simm.s32 $0x3;
	v8 =	vld [tilespmem:s0+$0xFFFFFD50];
	v9 =	vor.u32 s23, v0  }
0xb6: {  	s1 =	simm.s32 $0x4;
	v10 =	vld [tilespmem:s0+$0xFFFFFDD0];
	v11 =	vor.u32 s6, v0  }
0xb7: {  	s14 =	simm.s32 $0x5;
	v12 =	vld [tilespmem:s0+$0xFFFFFE50];
	v13 =	vor.u32 s1, v0  }
0xb8: {  	s18 =	simm.s32 $0x6;
	v14 =	vld [tilespmem:s0+$0xFFFFFED0];
	v15 =	vor.u32 s14, v0;
	[tilespmem:v5+s31+$0x0] =	vst.idx.msk $0xffff, v4  }
0xb9: {  	[tilespmem:v7+s31+$0x0] =	vst.idx.msk $0xffff, v6;
	v6 =	vld [tilespmem:s0+$0xFFFFFF50];
	v7 =	vor.u32 s18, v0  }
0xba: {  	s15 =	simm.s32 $0x0;
	v5 =	vor.u32 s24, v1;
	[tilespmem:v9+s31+$0x0] =	vst.idx.msk $0xffff, v8;
	v4 =	vld [tilespmem:s0+$0xFFFFFFE0]  }
0xbb: {  	v8 =	vld [tilespmem:s0+$0xFFFFFC50];
	v9 =	vor.u32 s15, v0;
	[tilespmem:v11+s31+$0x0] =	vst.idx.msk $0xffff, v10  }
0xbc: {  	v11 =	vor.u32 s17, v1;
	[tilespmem:v13+s31+$0x0] =	vst.idx.msk $0xffff, v12;
	v10 =	vld [tilespmem:s0+$0xFFFFFCE0]  }
0xbd: {  	v13 =	vor.u32 s23, v1;
	[tilespmem:v15+s31+$0x0] =	vst.idx.msk $0xffff, v14;
	v12 =	vld [tilespmem:s0+$0xFFFFFD60]  }
0xbe: {  	v15 =	vor.u32 s6, v1;
	v14 =	vld [tilespmem:s0+$0xFFFFFDE0];
	[tilespmem:v7+s31+$0x0] =	vst.idx.msk $0xffff, v6  }
0xbf: {  	v6 =	vld [tilespmem:s0+$0xFFFFFE60];
	v7 =	vor.u32 s1, v1;
	[tilespmem:v5+s31+$0x0] =	vst.idx.msk $0xffff, v4  }
0xc0: {  	[tilespmem:v9+s31+$0x0] =	vst.idx.msk $0xffff, v8;
	v5 =	vor.u32 s24, v2;
	v4 =	vld [tilespmem:s0+$0xFFFFFFF0]  }
0xc1: {  	v8 =	vld [tilespmem:s0+$0xFFFFFEE0];
	v9 =	vor.u32 s14, v1;
	[tilespmem:v11+s31+$0x0] =	vst.idx.msk $0xffff, v10  }
0xc2: {  	[tilespmem:v13+s31+$0x0] =	vst.idx.msk $0xffff, v12;
	v10 =	vld [tilespmem:s0+$0xFFFFFF60];
	v11 =	vor.u32 s18, v1  }
0xc3: {  	v12 =	vld [tilespmem:s0+$0xFFFFFC60];
	v13 =	vor.u32 s15, v1;
	[tilespmem:v15+s31+$0x0] =	vst.idx.msk $0xffff, v14  }
0xc4: {  	v15 =	vor.u32 s17, v2;
	v14 =	vld [tilespmem:s0+$0xFFFFFCF0];
	[tilespmem:v7+s31+$0x0] =	vst.idx.msk $0xffff, v6  }
0xc5: {  	v6 =	vld [tilespmem:s0+$0xFFFFFD70];
	v7 =	vor.u32 s23, v2;
	[tilespmem:v5+s31+$0x0] =	vst.idx.msk $0xffff, v4  }
0xc6: {  	[tilespmem:v9+s31+$0x0] =	vst.idx.msk $0xffff, v8;
	v5 =	vor.u32 s24, v3;
	v4 =	vld [tilespmem:s0+$0x0]  }
0xc7: {  	v8 =	vld [tilespmem:s0+$0xFFFFFDF0];
	v9 =	vor.u32 s6, v2;
	[tilespmem:v11+s31+$0x0] =	vst.idx.msk $0xffff, v10  }
0xc8: {  	[tilespmem:v13+s31+$0x0] =	vst.idx.msk $0xffff, v12;
	v10 =	vld [tilespmem:s0+$0xFFFFFE70];
	v11 =	vor.u32 s1, v2  }
0xc9: {  	v12 =	vld [tilespmem:s0+$0xFFFFFEF0];
	v13 =	vor.u32 s14, v2;
	[tilespmem:v15+s31+$0x0] =	vst.idx.msk $0xffff, v14  }
0xca: {  	v14 =	vld [tilespmem:s0+$0xFFFFFF70];
	v15 =	vor.u32 s18, v2;
	[tilespmem:v7+s31+$0x0] =	vst.idx.msk $0xffff, v6  }
0xcb: {  	v16 =	vor.u32 s15, v2;
	[tilespmem:v5+s31+$0x0] =	vst.idx.msk $0xffff, v4;
	v4 =	vld [tilespmem:s0+$0xFFFFFC70]  }
0xcc: {  	v6 =	vld [tilespmem:s0+$0xFFFFFD00];
	v7 =	vor.u32 s17, v3;
	[tilespmem:v9+s31+$0x0] =	vst.idx.msk $0xffff, v8  }
0xcd: {  	v18 =	vor.u32 s23, v3;
	v17 =	vld [tilespmem:s0+$0xFFFFFD80];
	[tilespmem:v11+s31+$0x0] =	vst.idx.msk $0xffff, v10  }
0xce: {  	v10 =	vld [tilespmem:s0+$0xFFFFFE00];
	[tilespmem:v13+s31+$0x0] =	vst.idx.msk $0xffff, v12;
	v13 =	vor.u32 s6, v3  }
0xcf: {  	v12 =	vor.u32 s1, v3;
	[tilespmem:v15+s31+$0x0] =	vst.idx.msk $0xffff, v14;
	v5 =	vld [tilespmem:s0+$0xFFFFFE80]  }
0xd0: {  	v11 =	vor.u32 s14, v3;
	[tilespmem:v16+s31+$0x0] =	vst.idx.msk $0xffff, v4;
	v4 =	vld [tilespmem:s0+$0xFFFFFF00]  }
0xd1: {  	s21 =	sadd.s32 $0x1, s21;
	s25 =	simm.s32 $0xF;
	v8 =	vor.u32 s18, v3;
	[tilespmem:v7+s31+$0x0] =	vst.idx.msk $0xffff, v6;
	v6 =	vld [tilespmem:s0+$0xFFFFFF80]  }
0xd2: {  	s26 =	simm.s32 $0x10;
	s23 =	simm.s32 $0x8;
	s24 =	simm.s32 $0xABB0;
	v9 =	vor.u32 s15, v3;
	[tilespmem:v18+s31+$0x0] =	vst.idx.msk $0xffff, v17;
	v7 =	vld [tilespmem:s0+$0xFFFFFC80]  }
.LBB2_9:
0xd3: {  	p0 =	slt.u32 s26, $0x78;
	s0 =	sadd.s32 $0x1, s23;
	v14 =	vld [tilespmem:s24+$0xFFFFFFD0];
	v15 =	vor.u32 s25, v0;
	[tilespmem:v13+s31+$0x0] =	vst.idx.msk $0xffff, v10;
	s1 =	smov.u32 s23  }
0xd4: {  	s23 =	smov.u32 s26;
	v10 =	vld [tilespmem:s24+$0xFFFFFCD0];
	v13 =	vor.u32 s0, v0;
	s6 =	sadd.s32 $0x2, s1;
	[tilespmem:v12+s31+$0x0] =	vst.idx.msk $0xffff, v5  }
0xd5: {  	s14 =	sadd.s32 $0x3, s1;
	v5 =	vld [tilespmem:s24+$0xFFFFFD50];
	v12 =	vor.u32 s6, v0;
	[tilespmem:v11+s31+$0x0] =	vst.idx.msk $0xffff, v4  }
0xd6: {  	s15 =	sadd.s32 $0x4, s1;
	v11 =	vor.u32 s14, v0;
	v4 =	vld [tilespmem:s24+$0xFFFFFDD0];
	[tilespmem:v8+s31+$0x0] =	vst.idx.msk $0xffff, v6  }
0xd7: {  	s17 =	sadd.s32 $0x5, s1;
	v8 =	vor.u32 s15, v0;
	v6 =	vld [tilespmem:s24+$0xFFFFFE50];
	[tilespmem:v9+s31+$0x0] =	vst.idx.msk $0xffff, v7  }
0xd8: {  	v9 =	vor.u32 s17, v0;
	v7 =	vld [tilespmem:s24+$0xFFFFFED0];
	[tilespmem:v15+s31+$0x0] =	vst.idx.msk $0xffff, v14  }
0xd9: {  	s18 =	sadd.s32 $0x6, s1;
	[tilespmem:v13+s31+$0x0] =	vst.idx.msk $0xffff, v10;
	v10 =	vld [tilespmem:s24+$0xFFFFFFE0];
	v13 =	vor.u32 s25, v1  }
0xda: {  	[tilespmem:v12+s31+$0x0] =	vst.idx.msk $0xffff, v5;
	v5 =	vld [tilespmem:s24+$0xFFFFFF50];
	v12 =	vor.u32 s18, v0  }
0xdb: {  	v15 =	vor.u32 s1, v0;
	v14 =	vld [tilespmem:s24+$0xFFFFFC50];
	[tilespmem:v11+s31+$0x0] =	vst.idx.msk $0xffff, v4  }
0xdc: {  	v11 =	vor.u32 s0, v1;
	v4 =	vld [tilespmem:s24+$0xFFFFFCE0];
	[tilespmem:v8+s31+$0x0] =	vst.idx.msk $0xffff, v6  }
0xdd: {  	v8 =	vor.u32 s6, v1;
	v6 =	vld [tilespmem:s24+$0xFFFFFD60];
	[tilespmem:v9+s31+$0x0] =	vst.idx.msk $0xffff, v7  }
0xde: {  	v9 =	vor.u32 s14, v1;
	v7 =	vld [tilespmem:s24+$0xFFFFFDE0];
	[tilespmem:v13+s31+$0x0] =	vst.idx.msk $0xffff, v10  }
0xdf: {  	v10 =	vor.u32 s25, v2;
	[tilespmem:v12+s31+$0x0] =	vst.idx.msk $0xffff, v5;
	v5 =	vld [tilespmem:s24+$0xFFFFFFF0]  }
0xe0: {  	v13 =	vor.u32 s15, v1;
	[tilespmem:v15+s31+$0x0] =	vst.idx.msk $0xffff, v14;
	v12 =	vld [tilespmem:s24+$0xFFFFFE60]  }
0xe1: {  	[tilespmem:v11+s31+$0x0] =	vst.idx.msk $0xffff, v4;
	v4 =	vld [tilespmem:s24+$0xFFFFFEE0];
	v11 =	vor.u32 s17, v1  }
0xe2: {  	[tilespmem:v8+s31+$0x0] =	vst.idx.msk $0xffff, v6;
	v6 =	vld [tilespmem:s24+$0xFFFFFF60];
	v8 =	vor.u32 s18, v1  }
0xe3: {  	v15 =	vor.u32 s1, v1;
	v14 =	vld [tilespmem:s24+$0xFFFFFC60];
	[tilespmem:v9+s31+$0x0] =	vst.idx.msk $0xffff, v7  }
0xe4: {  	v9 =	vor.u32 s0, v2;
	v7 =	vld [tilespmem:s24+$0xFFFFFCF0];
	[tilespmem:v10+s31+$0x0] =	vst.idx.msk $0xffff, v5  }
0xe5: {  	v10 =	vor.u32 s25, v3;
	[tilespmem:v13+s31+$0x0] =	vst.idx.msk $0xffff, v12;
	v5 =	vld [tilespmem:s24+$0x0]  }
0xe6: {  	v13 =	vor.u32 s6, v2;
	v12 =	vld [tilespmem:s24+$0xFFFFFD70];
	[tilespmem:v11+s31+$0x0] =	vst.idx.msk $0xffff, v4  }
0xe7: {  	v11 =	vor.u32 s14, v2;
	v4 =	vld [tilespmem:s24+$0xFFFFFDF0];
	[tilespmem:v8+s31+$0x0] =	vst.idx.msk $0xffff, v6  }
0xe8: {  	v8 =	vor.u32 s15, v2;
	[tilespmem:v15+s31+$0x0] =	vst.idx.msk $0xffff, v14;
	v6 =	vld [tilespmem:s24+$0xFFFFFE70]  }
0xe9: {  	[tilespmem:v9+s31+$0x0] =	vst.idx.msk $0xffff, v7;
	v7 =	vld [tilespmem:s24+$0xFFFFFEF0];
	v9 =	vor.u32 s17, v2  }
0xea: {  	v15 =	vor.u32 s18, v2;
	v14 =	vld [tilespmem:s24+$0xFFFFFF70];
	[tilespmem:v10+s31+$0x0] =	vst.idx.msk $0xffff, v5  }
0xeb: {  	v17 =	vor.u32 s1, v2;
	v16 =	vld [tilespmem:s24+$0xFFFFFC70];
	[tilespmem:v13+s31+$0x0] =	vst.idx.msk $0xffff, v12  }
0xec: {  	v19 =	vor.u32 s0, v3;
	v18 =	vld [tilespmem:s24+$0xFFFFFD00];
	[tilespmem:v11+s31+$0x0] =	vst.idx.msk $0xffff, v4  }
0xed: {  	v21 =	vor.u32 s6, v3;
	v20 =	vld [tilespmem:s24+$0xFFFFFD80];
	[tilespmem:v8+s31+$0x0] =	vst.idx.msk $0xffff, v6  }
.Ltmp4:
0xee: {  	v13 =	vor.u32 s14, v3;
	v10 =	vld [tilespmem:s24+$0xFFFFFE00];
	[tilespmem:v9+s31+$0x0] =	vst.idx.msk $0xffff, v7;
	(pc) =	sbr.rel @p0 .LBB2_9-.Ltmp4, $4  }
0xef: {  	v12 =	vor.u32 s15, v3;
	v5 =	vld [tilespmem:s24+$0xFFFFFE80];
	[tilespmem:v15+s31+$0x0] =	vst.idx.msk $0xffff, v14  }
0xf0: {  	v11 =	vor.u32 s17, v3;
	[tilespmem:v17+s31+$0x0] =	vst.idx.msk $0xffff, v16;
	v4 =	vld [tilespmem:s24+$0xFFFFFF00]  }
0xf1: {  	v8 =	vor.u32 s18, v3;
	[tilespmem:v19+s31+$0x0] =	vst.idx.msk $0xffff, v18;
	v6 =	vld [tilespmem:s24+$0xFFFFFF80]  }
0xf2: {  	s26 =	sadd.s32 $0x8, s26;
	s25 =	sadd.s32 $0x7, s23;
	v9 =	vor.u32 s1, v3;
	v7 =	vld [tilespmem:s24+$0xFFFFFC80];
	[tilespmem:v21+s31+$0x0] =	vst.idx.msk $0xffff, v20;
	s24 =	sadd.s32 $0x400, s24  }
0xf3: {  	_ =	sdelay $0x3  }
0xf4: {  	v14 =	vld [tilespmem:s24+$0xFFFFFFD0];
	v15 =	vor.u32 s25, v0;
	[tilespmem:v13+s31+$0x0] =	vst.idx.msk $0xffff, v10  }
0xf5: {  	s0 =	sadd.s32 $0x1, s23;
	v26 =	vld [tilespmem:s24+$0xFFFFFC50];
	v27 =	vor.u32 s23, v0;
	[tilespmem:v12+s31+$0x0] =	vst.idx.msk $0xffff, v5  }
0xf6: {  	v63 =	vld [tilespmem:s24+$0xFFFFFCD0];
	s1 =	sadd.s32 $0x2, s23;
	v16 =	vor.u32 s0, v0;
	[tilespmem:v11+s31+$0x0] =	vst.idx.msk $0xffff, v4  }
0xf7: {  	s14 =	sadd.s32 $0x4, s23;
	v5 =	vld [tilespmem:s24+$0xFFFFFD50];
	v17 =	vor.u32 s1, v0;
	[tilespmem:v8+s31+$0x0] =	vst.idx.msk $0xffff, v6  }
0xf8: {  	s6 =	sadd.s32 $0x3, s23;
	v19 =	vld [tilespmem:s24+$0xFFFFFE50];
	v20 =	vor.u32 s14, v0;
	[tilespmem:v9+s31+$0x0] =	vst.idx.msk $0xffff, v7  }
0xf9: {  	s15 =	sadd.s32 $0x5, s23;
	v18 =	vor.u32 s6, v0;
	v4 =	vld [tilespmem:s24+$0xFFFFFDD0];
	[tilespmem:v15+s31+$0x0] =	vst.idx.msk $0xffff, v14  }
0xfa: {  	v21 =	vld [tilespmem:s24+$0xFFFFFED0];
	v22 =	vor.u32 s15, v0;
	[tilespmem:v27+s31+$0x0] =	vst.idx.msk $0xffff, v26  }
0xfb: {  	s17 =	sadd.s32 $0x6, s23;
	v24 =	vor.u32 s25, v1;
	[tilespmem:v16+s31+$0x0] =	vst.idx.msk $0xffff, v63;
	v23 =	vld [tilespmem:s24+$0xFFFFFFE0]  }
0xfc: {  	v25 =	vor.u32 s17, v0;
	[tilespmem:v17+s31+$0x0] =	vst.idx.msk $0xffff, v5;
	v5 =	vld [tilespmem:s24+$0xFFFFFF50]  }
0xfd: {  	v39 =	vor.u32 s23, v1;
	[tilespmem:v20+s31+$0x0] =	vst.idx.msk $0xffff, v19;
	v14 =	vld [tilespmem:s24+$0xFFFFFC60]  }
0xfe: {  	v28 =	vor.u32 s0, v1;
	[tilespmem:v18+s31+$0x0] =	vst.idx.msk $0xffff, v4;
	v4 =	vld [tilespmem:s24+$0xFFFFFCE0]  }
0xff: {  	v30 =	vor.u32 s1, v1;
	[tilespmem:v22+s31+$0x0] =	vst.idx.msk $0xffff, v21;
	v29 =	vld [tilespmem:s24+$0xFFFFFD60]  }
0x100: {  	v35 =	vor.u32 s14, v1;
	v34 =	vld [tilespmem:s24+$0xFFFFFE60];
	[tilespmem:v24+s31+$0x0] =	vst.idx.msk $0xffff, v23  }
0x101: {  	v32 =	vor.u32 s6, v1;
	v31 =	vld [tilespmem:s24+$0xFFFFFDE0];
	[tilespmem:v25+s31+$0x0] =	vst.idx.msk $0xffff, v5  }
0x102: {  	v33 =	vor.u32 s25, v2;
	[tilespmem:v39+s31+$0x0] =	vst.idx.msk $0xffff, v14;
	v5 =	vld [tilespmem:s24+$0xFFFFFFF0]  }
0x103: {  	v36 =	vor.u32 s15, v1;
	[tilespmem:v28+s31+$0x0] =	vst.idx.msk $0xffff, v4;
	v4 =	vld [tilespmem:s24+$0xFFFFFEE0]  }
0x104: {  	v38 =	vor.u32 s17, v1;
	[tilespmem:v30+s31+$0x0] =	vst.idx.msk $0xffff, v29;
	v37 =	vld [tilespmem:s24+$0xFFFFFF60]  }
0x105: {  	v41 =	vor.u32 s0, v2;
	[tilespmem:v35+s31+$0x0] =	vst.idx.msk $0xffff, v34;
	v40 =	vld [tilespmem:s24+$0xFFFFFCF0]  }
0x106: {  	v43 =	vor.u32 s1, v2;
	[tilespmem:v32+s31+$0x0] =	vst.idx.msk $0xffff, v31;
	v42 =	vld [tilespmem:s24+$0xFFFFFD70]  }
0x107: {  	v46 =	vor.u32 s14, v2;
	v45 =	vld [tilespmem:s24+$0xFFFFFE70];
	[tilespmem:v33+s31+$0x0] =	vst.idx.msk $0xffff, v5  }
0x108: {  	v5 =	vor.u32 s25, v3;
	[tilespmem:v36+s31+$0x0] =	vst.idx.msk $0xffff, v4;
	v10 =	vld [tilespmem:s24+$0x0]  }
0x109: {  	v44 =	vor.u32 s6, v2;
	v4 =	vld [tilespmem:s24+$0xFFFFFDF0];
	[tilespmem:v38+s31+$0x0] =	vst.idx.msk $0xffff, v37  }
0x10a: {  	v48 =	vor.u32 s15, v2;
	[tilespmem:v41+s31+$0x0] =	vst.idx.msk $0xffff, v40;
	v47 =	vld [tilespmem:s24+$0xFFFFFEF0]  }
0x10b: {  	v50 =	vor.u32 s17, v2;
	v49 =	vld [tilespmem:s24+$0xFFFFFF70];
	[tilespmem:v43+s31+$0x0] =	vst.idx.msk $0xffff, v42  }
0x10c: {  	v52 =	vor.u32 s0, v3;
	[tilespmem:v46+s31+$0x0] =	vst.idx.msk $0xffff, v45;
	v53 =	vld [tilespmem:s24+$0xFFFFFD00]  }
0x10d: {  	v51 =	vor.u32 s23, v2;
	[tilespmem:v5+s31+$0x0] =	vst.idx.msk $0xffff, v10;
	v5 =	vld [tilespmem:s24+$0xFFFFFC70]  }
0x10e: {  	v57 =	vor.u32 s14, v3;
	v58 =	vld [tilespmem:s24+$0xFFFFFE80];
	[tilespmem:v44+s31+$0x0] =	vst.idx.msk $0xffff, v4  }
0x10f: {  	v54 =	vld [tilespmem:s24+$0xFFFFFD80];
	v4 =	vor.u32 s1, v3;
	[tilespmem:v48+s31+$0x0] =	vst.idx.msk $0xffff, v47  }
0x110: {  	v55 =	vor.u32 s6, v3;
	v56 =	vld [tilespmem:s24+$0xFFFFFE00];
	[tilespmem:v50+s31+$0x0] =	vst.idx.msk $0xffff, v49  }
0x111: {  	v60 =	vor.u32 s17, v3;
	[tilespmem:v52+s31+$0x0] =	vst.idx.msk $0xffff, v53;
	v61 =	vld [tilespmem:s24+$0xFFFFFF80]  }
0x112: {  	v59 =	vor.u32 s15, v3;
	[tilespmem:v51+s31+$0x0] =	vst.idx.msk $0xffff, v5;
	v5 =	vld [tilespmem:s24+$0xFFFFFF00]  }
0x113: {  	v63 =	vor.u32 s23, v3;
	[tilespmem:v57+s31+$0x0] =	vst.idx.msk $0xffff, v58;
	v62 =	vld [tilespmem:s24+$0xFFFFFC80]  }
0x114: {  	[tilespmem:v4+s31+$0x0] =	vst.idx.msk $0xffff, v54;
	s24 =	sadd.s32 s5, s22  }
0x115: {  	[tilespmem:v55+s31+$0x0] =	vst.idx.msk $0xffff, v56;
	s25 =	sshll.u32 s24, $0xA;
	s0 =	sshll.u32 s24, $0x7  }
0x116: {  	[tilespmem:v60+s31+$0x0] =	vst.idx.msk $0xffff, v61;
	s1 =	sand.u32 $0x7FFF8000, s25;
	s0 =	sand.u32 $0xF80, s0  }
0x117: {  	s0 =	sor.u32 s0, s1;
	[tilespmem:v59+s31+$0x0] =	vst.idx.msk $0xffff, v5  }
0x118: {  	s1 =	sadd.s32 s2, s0;
	s0 =	sand.u32 $0x1FFF8F80, s0;
	[tilespmem:v63+s31+$0x0] =	vst.idx.msk $0xffff, v62  }
0x119: {  	[hbm4b:s1+s3] =	stream.linear.scatter [tilespmem:s31], [sflag:$0x4], $0x400, $0x38;
	[tilespmem:$0x16400] =	vst v63  }
0x11a: {  	s28 =	simm.s32 $0x12C00;
	s26 =	sadd.s32 s0, s7  }
0x11b: {  	[hbm4b:s26+s3] =	stream.linear.scatter [tilespmem:s28], [sflag:$0x4], $0x400, $0x38;
	[tilespmem:$0x16400] =	vst v63  }
0x11c: {  	s14 =	simm.s32 $0x13400;
	s6 =	sadd.s32 s0, s8  }
0x11d: {  	[hbm4b:s6+s3] =	stream.linear.scatter [tilespmem:s14], [sflag:$0x4], $0x400, $0x38;
	[tilespmem:$0x16400] =	vst v63  }
0x11e: {  	s17 =	simm.s32 $0x13C00;
	s15 =	sadd.s32 s0, s9  }
0x11f: {  	[hbm4b:s15+s3] =	stream.linear.scatter [tilespmem:s17], [sflag:$0x4], $0x400, $0x38;
	[tilespmem:$0x16400] =	vst v63  }
0x120: {  	s22 =	simm.s32 $0x14400;
	s18 =	sadd.s32 s0, s10  }
0x121: {  	[hbm4b:s18+s3] =	stream.linear.scatter [tilespmem:s22], [sflag:$0x4], $0x400, $0x38;
	[tilespmem:$0x16400] =	vst v63  }
0x122: {  	p0 =	sne.s32 s21, $0x64;
	s24 =	simm.s32 $0x14C00;
	s23 =	sadd.s32 s0, s11  }
0x123: {  	[hbm4b:s23+s3] =	stream.linear.scatter [tilespmem:s24], [sflag:$0x4], $0x400, $0x38;
	[tilespmem:$0x16400] =	vst v63  }
.Ltmp5:
0x124: {  	_ = 	snop;
	(pc) =	sbr.rel @p0 .LBB2_2-.Ltmp5, $4  }
0x125: {  	s25 =	sadd.s32 s0, s12;
	s26 =	simm.s32 $0x15400  }
0x126: {  	[hbm4b:s25+s3] =	stream.linear.scatter [tilespmem:s26], [sflag:$0x4], $0x400, $0x38;
	[tilespmem:$0x16400] =	vst v63  }
0x127: {  	s0 =	sadd.s32 s0, s13;
	s28 =	simm.s32 $0x15C00  }
0x128: {  	[hbm4b:s0+s3] =	stream.linear.scatter [tilespmem:s28], [sflag:$0x4], $0x400, $0x38;
	[tilespmem:$0x16400] =	vst v63  }
0x129: {  	s0 =	simm.s32 $0x3  }
0x12a: {  	_ =	swait.ge [sflag:s0], $0x2000  }
0x12b: {  	[sflag:s0] =	ssyncset.done $0x0  }
0x12c: {  	[sflag:s0] =	ssyncadd.s32 $0xFFFFE000  }
0x12d: {  	_ =	swait.ge [sflag:s30], $0x2000  }
0x12e: {  	s1 =	rddreg [dreg:$0x5]  }
0x12f: {  	s28 =	rddreg [dreg:$0x4];
	s1 =	sadd.s32 $0x1, s1  }
0x130: {  	p0 =	sne.s32 s1, s28  }
.Ltmp6:
0x131: {  	_ = 	snop;
	(pc) =	sbr.rel @p0 .LBB2_1-.Ltmp6, $3  }
0x132: {  	_ =	sdelay $0x1  }
0x133: {  	[sflag:s30] =	ssyncset.done $0x0  }
0x134: {  	[sflag:s30] =	ssyncadd.s32 $0xFFFFE000  }
0x135: {  	_ =	sfence.sel $0x180000  }
0x136: {  	[bflag:$0x0] =	sbarrier.arrive $0xFFFF  }
0x137: {  	_ =	strace $0x90000047  }
0x138: {  	s0 =	stileid.u32;
	[bflag:$0x2] =	sbarrier.arrive $0xFFFF  }
0x139: {  	p0 =	sne.s32 s0, $0x0;
	s0 =	rddreg [dreg:$0x2]  }
0x13a: {  	s0 =	sadd.s32 @!p0 $0x100000, s0  }
0x13b: {  	[sflag:s0] =	ssyncadd.tile.s32 @!p0 $0x1;
	_ =	shalt  }
.Lfunc_end2:
_tile_overlayer_lowered:
.L_overlay_start_2:
0x13c: {  	(tag) =	ssettag $0x2  }
0x13d: {  	s0 =	rddreg [dreg:$0x0];
	s2 =	stileid.u32  }
0x13e: {  	s1 =	rddreg [dreg:$0x1];
	p0 =	sne.s32 s2, $0x0  }
0x13f: {  	s3 =	rddreg [dreg:$0x2];
	[bflag:$0x3] =	sbarrier.arrive $0xFFFF;
	s2 =	simm.s32 @!p0 $0x1C05  }
0x140: {  	[timem:s3], [sflag:s2] =	dma.local @!p0 [hbm:s0], s1  }
0x141: {  	s0 =	simm.s32 @!p0 $0x5  }
0x142: {  	_ =	swait.ge @!p0 [sflag:s0], s1  }
0x143: {  	s1 =	ssub.s32 @!p0 $0x0, s1;
	[sflag:s0] =	ssyncset.done @!p0 $0x0  }
0x144: {  	[sflag:s0] =	ssyncadd.s32 @!p0 s1  }
0x145: {  	[bflag:$0x3] =	sbarrier.arrive $0xFFFF  }
0x146: {  	_ =	shalt  }

</sc_bundles>
